<compile_context>
chip_gen: v7x
topology: tpu7x:2x2x1
jax: 0.10.2.dev20260603
libtpu: 0.0.44.dev20260713+nightly
codegen_flags: <defaults>
</compile_context>

<pallas_src>
import functools

import jax
import jax.numpy as jnp
from jax import lax
from jax.experimental import pallas as pl
from jax.experimental.pallas import tpu as pltpu
from jax.experimental.pallas import tpu_sc as plsc

N_NODES = 10000
N_EDGES = 320000
D_FEAT = 128
HIDDEN = 128
HEADS = 8
HEAD_DIM = 16
GCOLS = 144
TCOLS = 16

PREP_BLK = 1024
FINAL_BLK = 1000

NC = 2
NS = 16
CHUNK = 120
N_PAD = 10240
ROWS_PER_TILE = N_PAD // NS
NW = NC * NS
PER_TILE = 84
NPAIRS = PER_TILE // 2
NCHUNKS = PER_TILE * NW
E_PAD = NCHUNKS * CHUNK


def _prep_body(x_ref, w_ref, asrc_ref, adst_ref, g_ref, t_ref):
    x = x_ref[...]
    w = w_ref[...]
    a_s = asrc_ref[...]
    a_d = adst_ref[...]
    k = lax.broadcasted_iota(jnp.int32, (HEADS, HIDDEN), 0)
    m = lax.broadcasted_iota(jnp.int32, (HEADS, HIDDEN), 1)
    sel = (m // HEAD_DIM) == k
    Bs = jnp.where(sel, jnp.concatenate([a_s] * HEADS, axis=1), 0.0)
    Bd = jnp.where(sel, jnp.concatenate([a_d] * HEADS, axis=1), 0.0)
    h = jnp.dot(x, w, preferred_element_type=jnp.float32)
    dn = (((1,), (1,)), ((), ()))
    a_src = lax.dot_general(h, Bs, dn, preferred_element_type=jnp.float32)
    a_dst = lax.dot_general(h, Bd, dn, preferred_element_type=jnp.float32)
    zero8 = jnp.zeros_like(a_src)
    g_ref[...] = jnp.concatenate([h, a_src, zero8], axis=1)
    t_ref[...] = jnp.concatenate([a_dst, zero8], axis=1)


def _prep(x, w, attn_src, attn_dst):
    grid = N_PAD // PREP_BLK
    return pl.pallas_call(
        _prep_body,
        grid=(grid,),
        in_specs=[
            pl.BlockSpec((PREP_BLK, D_FEAT), lambda i: (i, 0)),
            pl.BlockSpec((D_FEAT, HIDDEN), lambda i: (0, 0)),
            pl.BlockSpec((HEADS, HEAD_DIM), lambda i: (0, 0)),
            pl.BlockSpec((HEADS, HEAD_DIM), lambda i: (0, 0)),
        ],
        out_specs=[
            pl.BlockSpec((PREP_BLK, GCOLS), lambda i: (i, 0)),
            pl.BlockSpec((PREP_BLK, TCOLS), lambda i: (i, 0)),
        ],
        out_shape=[
            jax.ShapeDtypeStruct((N_PAD, GCOLS), jnp.float32),
            jax.ShapeDtypeStruct((N_PAD, TCOLS), jnp.float32),
        ],
    )(x, w, attn_src, attn_dst)


def _edge_body(g_hbm, t_hbm, ei_hbm, out_hbm, sidx0, didx0, sidx1, didx1,
               gbuf0, gbuf1, tbuf0, tbuf1, acc,
               sem_g0, sem_t0, sem_g1, sem_t1):
    c = lax.axis_index("c")
    s = lax.axis_index("s")
    wid = c * NS + s
    chunk0 = wid * PER_TILE
    lanes = lax.iota(jnp.int32, 16)

    zeros16 = jnp.zeros((16,), jnp.float32)

    def zrow(i, carry):
        for kk in range(GCOLS // 16):
            gbuf0[i, pl.ds(kk * 16, 16)] = zeros16
        return carry

    lax.fori_loop(0, CHUNK, zrow, 0)

    r0 = s * ROWS_PER_TILE
    nfull = ROWS_PER_TILE // CHUNK
    for j in range(nfull):
        pltpu.sync_copy(gbuf0, acc.at[pl.ds(r0 + j * CHUNK, CHUNK)])
    rem = ROWS_PER_TILE - nfull * CHUNK
    pltpu.sync_copy(gbuf0.at[pl.ds(0, rem)],
                    acc.at[pl.ds(r0 + nfull * CHUNK, rem)])
    plsc.subcore_barrier()

    sx = (sidx0, sidx1)
    dx = (didx0, didx1)
    gb = (gbuf0, gbuf1)
    tb = (tbuf0, tbuf1)
    sg = (sem_g0, sem_g1)
    st = (sem_t0, sem_t1)

    def load_idx(j, pi):
        base = (chunk0 + j) * CHUNK
        pltpu.sync_copy(ei_hbm.at[0, pl.ds(base, CHUNK)], sx[pi])
        pltpu.sync_copy(ei_hbm.at[1, pl.ds(base, CHUNK)], dx[pi])

    def issue(pi):
        pltpu.async_copy(g_hbm.at[sx[pi]], gb[pi], sg[pi])
        pltpu.async_copy(t_hbm.at[dx[pi]], tb[pi], st[pi])

    def drain(pi):
        pltpu.make_async_copy(g_hbm.at[sx[pi]], gb[pi], sg[pi]).wait()
        pltpu.make_async_copy(t_hbm.at[dx[pi]], tb[pi], st[pi]).wait()

    def process(pi):
        gbuf, tbuf = gb[pi], tb[pi]

        def wrow(b, carry2):
            a_s = gbuf[b, pl.ds(HIDDEN, 16)]
            a_d = tbuf[b, pl.ds(0, 16)]
            e = a_s + a_d
            e = jnp.where(e >= 0.0, e, 0.2 * e)
            sv = jnp.where(lanes < HEADS, jnp.exp(e), 0.0)
            gbuf[b, pl.ds(HIDDEN, 16)] = sv
            for k in range(HEADS):
                gbuf[b, pl.ds(k * 16, 16)] = gbuf[b, pl.ds(k * 16, 16)] * sv[k]
            return carry2

        lax.fori_loop(0, CHUNK, wrow, 0)
        pltpu.sync_copy(gbuf, acc.at[dx[pi]], add=True)

    load_idx(0, 0)
    issue(0)

    def pair(jj, carry):
        j0 = 2 * jj
        load_idx(j0 + 1, 1)
        issue(1)
        drain(0)
        process(0)

        @pl.when(jj < NPAIRS - 1)
        def _():
            load_idx(j0 + 2, 0)
            issue(0)

        drain(1)
        process(1)
        return carry

    lax.fori_loop(0, NPAIRS, pair, 0)
    plsc.subcore_barrier()

    pltpu.sync_copy(acc.at[pl.ds(r0, ROWS_PER_TILE)],
                    out_hbm.at[c, pl.ds(r0, ROWS_PER_TILE)])


def _edges(g, t, edge_index2):
    mesh = plsc.VectorSubcoreMesh(core_axis_name="c", subcore_axis_name="s",
                                  num_cores=NC, num_subcores=NS)
    fn = functools.partial(
        pl.kernel,
        out_type=jax.ShapeDtypeStruct((NC, N_PAD, GCOLS), jnp.float32),
        mesh=mesh,
        scratch_types=(
            [pltpu.VMEM((CHUNK,), jnp.int32) for _ in range(4)]
            + [pltpu.VMEM((CHUNK, GCOLS), jnp.float32) for _ in range(2)]
            + [pltpu.VMEM((CHUNK, TCOLS), jnp.float32) for _ in range(2)]
            + [pltpu.VMEM_SHARED((N_PAD, GCOLS), jnp.float32)]
            + [pltpu.SemaphoreType.DMA for _ in range(4)]
        ),
        compiler_params=pltpu.CompilerParams(use_tc_tiling_on_sc=False),
    )(_edge_body)
    return fn(g, t, edge_index2)


def _final_body(p_ref, wd_ref, bd_ref, o_ref):
    ssum = p_ref[0] + p_ref[1]
    numer = ssum[:, :HIDDEN]
    denom = ssum[:, HIDDEN:HIDDEN + HEADS]
    k = lax.broadcasted_iota(jnp.int32, (HEADS, HIDDEN), 0)
    j = lax.broadcasted_iota(jnp.int32, (HEADS, HIDDEN), 1)
    rep = jnp.where((j // HEAD_DIM) == k, 1.0, 0.0)
    dex = jnp.dot(denom, rep, preferred_element_type=jnp.float32)
    x = jnp.maximum(numer / (dex + 1e-9), 0.0)
    y = jnp.dot(x, wd_ref[...], preferred_element_type=jnp.float32) + bd_ref[0, 0]
    o_ref[...] = 1.0 / (1.0 + jnp.exp(-y))


def _final(p, wd, bd):
    grid = N_NODES // FINAL_BLK
    return pl.pallas_call(
        _final_body,
        grid=(grid,),
        in_specs=[
            pl.BlockSpec((NC, FINAL_BLK, GCOLS), lambda i: (0, i, 0)),
            pl.BlockSpec((HIDDEN, 1), lambda i: (0, 0)),
            pl.BlockSpec((1, 1), lambda i: (0, 0)),
        ],
        out_specs=pl.BlockSpec((FINAL_BLK, 1), lambda i: (i, 0)),
        out_shape=jax.ShapeDtypeStruct((N_NODES, 1), jnp.float32),
    )(p, wd, bd)


@jax.jit
def kernel(node_features, edge_index, W, attn_src, attn_dst, Wd, bd):
    xp = jnp.concatenate(
        [node_features,
         jnp.zeros((N_PAD - N_NODES, D_FEAT), jnp.float32)], axis=0)
    ei = jnp.concatenate(
        [edge_index,
         jnp.full((2, E_PAD - N_EDGES), N_PAD - 1, jnp.int32)], axis=1)
    g, t = _prep(xp, W, attn_src, attn_dst)
    p = _edges(g, t, ei)
    return _final(p, Wd, bd.reshape(1, 1))

# --- scband reference (transcript-rebuilt; emitter-appended) ---
"""Pipeline reference for scband-gatmodel-55817394978867 (READ-ONLY COPY).

The authoritative reference and input builder live on the scoring server;
editing this copy changes nothing except your own understanding.
"""

import jax, jax.numpy as jnp
import numpy as np

N_NODES = 10000
N_EDGES = 320000
D_FEAT = 128
HIDDEN_UNITS = 128
NUM_HEADS = 8
HEAD_DIM = HIDDEN_UNITS // NUM_HEADS


def setup_inputs(seed: int = 0) -> dict:
    key = jax.random.key(seed)
    ks = jax.random.split(key, 8)
    node_features = jax.random.normal(ks[0], (N_NODES, D_FEAT), dtype=jnp.float32)
    edge_index = jax.random.randint(ks[1], (2, N_EDGES), 0, N_NODES, dtype=jnp.int32)
    W = jax.random.normal(ks[2], (D_FEAT, HIDDEN_UNITS), dtype=jnp.float32) * (1.0 / np.sqrt(D_FEAT))
    attn_src = jax.random.normal(ks[3], (NUM_HEADS, HEAD_DIM), dtype=jnp.float32) * 0.1
    attn_dst = jax.random.normal(ks[4], (NUM_HEADS, HEAD_DIM), dtype=jnp.float32) * 0.1
    Wd = jax.random.normal(ks[5], (HIDDEN_UNITS, 1), dtype=jnp.float32) * (1.0 / np.sqrt(HIDDEN_UNITS))
    bd = jnp.zeros((1,), dtype=jnp.float32)
    return {"node_features": node_features, "edge_index": edge_index, "W": W,
            "attn_src": attn_src, "attn_dst": attn_dst, "Wd": Wd, "bd": bd}


def reference(node_features, edge_index, W, attn_src, attn_dst, Wd, bd):
    N = node_features.shape[0]
    H, Dh = attn_src.shape
    src = edge_index[0]
    dst = edge_index[1]
    # Linear projection into per-head feature spaces
    h = (node_features @ W).reshape(N, H, Dh)  # [N, H, Dh]
    # Per-node attention logits (GAT-style decomposition a^T [Wh_i || Wh_j])
    alpha_src = jnp.sum(h * attn_src[None, :, :], axis=-1)  # [N, H]
    alpha_dst = jnp.sum(h * attn_dst[None, :, :], axis=-1)  # [N, H]
    e = alpha_src[src] + alpha_dst[dst]  # [E, H] gather
    e = jax.nn.leaky_relu(e, negative_slope=0.2)
    # Segment softmax over incoming edges of each destination node
    e_max = jax.ops.segment_max(e, dst, num_segments=N)  # [N, H]
    e_max = jnp.where(jnp.isfinite(e_max), e_max, 0.0)
    e_max = jax.lax.stop_gradient(e_max)
    e_exp = jnp.exp(e - e_max[dst])  # [E, H]
    denom = jax.ops.segment_sum(e_exp, dst, num_segments=N)  # [N, H]
    alpha = e_exp / (denom[dst] + 1e-9)  # [E, H]
    # Weighted message aggregation (gather src feats, scatter-add to dst)
    msg = h[src] * alpha[:, :, None]  # [E, H, Dh]
    agg = jax.ops.segment_sum(msg, dst, num_segments=N)  # [N, H, Dh]
    x = agg.reshape(N, H * Dh)
    x = jax.nn.relu(x)
    out = jax.nn.sigmoid(x @ Wd + bd)  # [N, 1]
    return out


if False:  # reference __main__ guard neutralized (emitter)
    inp = setup_inputs()
    o = reference(**inp)
    print(o.shape, o.dtype)

if __name__ == "__main__":
    import jax
    _d = setup_inputs()
    print(jax.jit(kernel)(*tuple(_d.values())))

</pallas_src>

<mosaic_0001>
#map = affine_map<(d0, d1) -> (0, 0)>
#map1 = affine_map<(d0, d1) -> (0, 0, 0)>
module attributes {stable_mosaic.version = 14 : i64} {
  func.func @_edge_body(%arg0: i32, %arg1: i32, %arg2: memref<10240x144xf32, #tpu.memory_space<hbm>>, %arg3: memref<10240x16xf32, #tpu.memory_space<hbm>>, %arg4: memref<2x322560xi32, #tpu.memory_space<hbm>>, %arg5: memref<2x10240x144xf32, #tpu.memory_space<hbm>>, %arg6: memref<120xi32, #tpu.memory_space<vmem>>, %arg7: memref<120xi32, #tpu.memory_space<vmem>>, %arg8: memref<120xi32, #tpu.memory_space<vmem>>, %arg9: memref<120xi32, #tpu.memory_space<vmem>>, %arg10: memref<120x144xf32, #tpu.memory_space<vmem>>, %arg11: memref<120x144xf32, #tpu.memory_space<vmem>>, %arg12: memref<120x16xf32, #tpu.memory_space<vmem>>, %arg13: memref<120x16xf32, #tpu.memory_space<vmem>>, %arg14: memref<10240x144xf32, #tpu.memory_space<vmem_shared>>, %arg15: memref<!tpu.dma_semaphore, #tpu.memory_space<semaphore_mem>>, %arg16: memref<!tpu.dma_semaphore, #tpu.memory_space<semaphore_mem>>, %arg17: memref<!tpu.dma_semaphore, #tpu.memory_space<semaphore_mem>>, %arg18: memref<!tpu.dma_semaphore, #tpu.memory_space<semaphore_mem>>) attributes {dimension_semantics = [#tpu.dimension_semantics<core_parallel>, #tpu.dimension_semantics<subcore_parallel>], iteration_bounds = array<i64: 2, 16>, scalar_prefetch = 0 : i64, scratch_operands = 13 : i64, tpu.core_type = #tpu.core_type<sc_vector_subcore>, window_params = [{transform_indices = #map}, {transform_indices = #map}, {transform_indices = #map}, {transform_indices = #map1}]} {
    %mul3A = arith.constant 16 : i32
    %mul3A_0 = arith.muli %arg0, %mul3A : i32
    %add3A = arith.addi %mul3A_0, %arg1 : i32
    %mul3A_1 = arith.constant 84 : i32
    %mul3A_2 = arith.muli %add3A, %mul3A_1 : i32
    %iota3A = tpu.iota {dimensions = array<i32: 0>} : vector<16xi32>
    %broadcast_in_dim3A = arith.constant 0.000000e+00 : f32
    %broadcast_in_dim3A_3 = vector.broadcast %broadcast_in_dim3A : f32 to vector<16xf32>
    %scan3A = arith.constant 0 : i32
    %scan3A_4 = arith.constant 0 : i32
    %scan3A_5 = arith.constant 120 : i32
    %scan3A_6 = arith.addi %scan3A_4, %scan3A_5 : i32
    %scan3A_7 = arith.constant 1 : i32
    scf.for %scan3A_40 = %scan3A_4 to %scan3A_6 step %scan3A_7  : i32 {
      %swap3A = arith.index_cast %scan3A_40 : i32 to index
      %swap3A_41 = arith.constant 0 : index
      %swap3A_42 = tpu.vector_load %arg10[%swap3A, %swap3A_41] {strides = array<i32>} : memref<120x144xf32, #tpu.memory_space<vmem>>, vector<1x16xf32>,
      %swap3A_43 = vector.shape_cast %swap3A_42 : vector<1x16xf32> to vector<16xf32>
      %swap3A_44 = vector.shape_cast %broadcast_in_dim3A_3 : vector<16xf32> to vector<1x16xf32>
      tpu.vector_store %arg10[%swap3A, %swap3A_41], %swap3A_44 {strides = array<i32>} : memref<120x144xf32, #tpu.memory_space<vmem>>, vector<1x16xf32>,
      %swap3A_45 = arith.index_cast %scan3A_40 : i32 to index
      %swap3A_46 = arith.constant 16 : index
      %swap3A_47 = tpu.vector_load %arg10[%swap3A_45, %swap3A_46] {strides = array<i32>} : memref<120x144xf32, #tpu.memory_space<vmem>>, vector<1x16xf32>,
      %swap3A_48 = vector.shape_cast %swap3A_47 : vector<1x16xf32> to vector<16xf32>
      %swap3A_49 = vector.shape_cast %broadcast_in_dim3A_3 : vector<16xf32> to vector<1x16xf32>
      tpu.vector_store %arg10[%swap3A_45, %swap3A_46], %swap3A_49 {strides = array<i32>} : memref<120x144xf32, #tpu.memory_space<vmem>>, vector<1x16xf32>,
      %swap3A_50 = arith.index_cast %scan3A_40 : i32 to index
      %swap3A_51 = arith.constant 32 : index
      %swap3A_52 = tpu.vector_load %arg10[%swap3A_50, %swap3A_51] {strides = array<i32>} : memref<120x144xf32, #tpu.memory_space<vmem>>, vector<1x16xf32>,
      %swap3A_53 = vector.shape_cast %swap3A_52 : vector<1x16xf32> to vector<16xf32>
      %swap3A_54 = vector.shape_cast %broadcast_in_dim3A_3 : vector<16xf32> to vector<1x16xf32>
      tpu.vector_store %arg10[%swap3A_50, %swap3A_51], %swap3A_54 {strides = array<i32>} : memref<120x144xf32, #tpu.memory_space<vmem>>, vector<1x16xf32>,
      %swap3A_55 = arith.index_cast %scan3A_40 : i32 to index
      %swap3A_56 = arith.constant 48 : index
      %swap3A_57 = tpu.vector_load %arg10[%swap3A_55, %swap3A_56] {strides = array<i32>} : memref<120x144xf32, #tpu.memory_space<vmem>>, vector<1x16xf32>,
      %swap3A_58 = vector.shape_cast %swap3A_57 : vector<1x16xf32> to vector<16xf32>
      %swap3A_59 = vector.shape_cast %broadcast_in_dim3A_3 : vector<16xf32> to vector<1x16xf32>
      tpu.vector_store %arg10[%swap3A_55, %swap3A_56], %swap3A_59 {strides = array<i32>} : memref<120x144xf32, #tpu.memory_space<vmem>>, vector<1x16xf32>,
      %swap3A_60 = arith.index_cast %scan3A_40 : i32 to index
      %swap3A_61 = arith.constant 64 : index
      %swap3A_62 = tpu.vector_load %arg10[%swap3A_60, %swap3A_61] {strides = array<i32>} : memref<120x144xf32, #tpu.memory_space<vmem>>, vector<1x16xf32>,
      %swap3A_63 = vector.shape_cast %swap3A_62 : vector<1x16xf32> to vector<16xf32>
      %swap3A_64 = vector.shape_cast %broadcast_in_dim3A_3 : vector<16xf32> to vector<1x16xf32>
      tpu.vector_store %arg10[%swap3A_60, %swap3A_61], %swap3A_64 {strides = array<i32>} : memref<120x144xf32, #tpu.memory_space<vmem>>, vector<1x16xf32>,
      %swap3A_65 = arith.index_cast %scan3A_40 : i32 to index
      %swap3A_66 = arith.constant 80 : index
      %swap3A_67 = tpu.vector_load %arg10[%swap3A_65, %swap3A_66] {strides = array<i32>} : memref<120x144xf32, #tpu.memory_space<vmem>>, vector<1x16xf32>,
      %swap3A_68 = vector.shape_cast %swap3A_67 : vector<1x16xf32> to vector<16xf32>
      %swap3A_69 = vector.shape_cast %broadcast_in_dim3A_3 : vector<16xf32> to vector<1x16xf32>
      tpu.vector_store %arg10[%swap3A_65, %swap3A_66], %swap3A_69 {strides = array<i32>} : memref<120x144xf32, #tpu.memory_space<vmem>>, vector<1x16xf32>,
      %swap3A_70 = arith.index_cast %scan3A_40 : i32 to index
      %swap3A_71 = arith.constant 96 : index
      %swap3A_72 = tpu.vector_load %arg10[%swap3A_70, %swap3A_71] {strides = array<i32>} : memref<120x144xf32, #tpu.memory_space<vmem>>, vector<1x16xf32>,
      %swap3A_73 = vector.shape_cast %swap3A_72 : vector<1x16xf32> to vector<16xf32>
      %swap3A_74 = vector.shape_cast %broadcast_in_dim3A_3 : vector<16xf32> to vector<1x16xf32>
      tpu.vector_store %arg10[%swap3A_70, %swap3A_71], %swap3A_74 {strides = array<i32>} : memref<120x144xf32, #tpu.memory_space<vmem>>, vector<1x16xf32>,
      %swap3A_75 = arith.index_cast %scan3A_40 : i32 to index
      %swap3A_76 = arith.constant 112 : index
      %swap3A_77 = tpu.vector_load %arg10[%swap3A_75, %swap3A_76] {strides = array<i32>} : memref<120x144xf32, #tpu.memory_space<vmem>>, vector<1x16xf32>,
      %swap3A_78 = vector.shape_cast %swap3A_77 : vector<1x16xf32> to vector<16xf32>
      %swap3A_79 = vector.shape_cast %broadcast_in_dim3A_3 : vector<16xf32> to vector<1x16xf32>
      tpu.vector_store %arg10[%swap3A_75, %swap3A_76], %swap3A_79 {strides = array<i32>} : memref<120x144xf32, #tpu.memory_space<vmem>>, vector<1x16xf32>,
      %swap3A_80 = arith.index_cast %scan3A_40 : i32 to index
      %swap3A_81 = arith.constant 128 : index
      %swap3A_82 = tpu.vector_load %arg10[%swap3A_80, %swap3A_81] {strides = array<i32>} : memref<120x144xf32, #tpu.memory_space<vmem>>, vector<1x16xf32>,
      %swap3A_83 = vector.shape_cast %swap3A_82 : vector<1x16xf32> to vector<16xf32>
      %swap3A_84 = vector.shape_cast %broadcast_in_dim3A_3 : vector<16xf32> to vector<1x16xf32>
      tpu.vector_store %arg10[%swap3A_80, %swap3A_81], %swap3A_84 {strides = array<i32>} : memref<120x144xf32, #tpu.memory_space<vmem>>, vector<1x16xf32>,
    }
    %scan3A_8 = arith.constant 120 : i32
    %mul3A_9 = arith.constant 640 : i32
    %mul3A_10 = arith.muli %arg1, %mul3A_9 : i32
    %add3A_11 = arith.constant 0 : i32
    %add3A_12 = arith.addi %mul3A_10, %add3A_11 : i32
    "tpu.region"() ({
      %run_scoped3A_40 = tpu.sem_alloc : memref<!tpu.dma_semaphore, #tpu.memory_space<semaphore_mem>>
      %dma_start3A_41 = arith.constant 0 : i32
      %dma_start3A_42 = tpu.memref_slice %arg14[%add3A_12, %dma_start3A_41] : memref<10240x144xf32, #tpu.memory_space<vmem_shared>> -> memref<120x144xf32, #tpu.memory_space<vmem_shared>>
      %dma_start3A_43 = arith.constant 0 : i32
      %dma_start3A_44 = tpu.memref_slice %arg14[%add3A_12, %dma_start3A_43] : memref<10240x144xf32, #tpu.memory_space<vmem_shared>> -> memref<120x144xf32, #tpu.memory_space<vmem_shared>>
      tpu.enqueue_dma source(%arg10 : memref<120x144xf32, #tpu.memory_space<vmem>>) target(%dma_start3A_44 : memref<120x144xf32, #tpu.memory_space<vmem_shared>>) target_semaphore(%run_scoped3A_40 : memref<!tpu.dma_semaphore, #tpu.memory_space<semaphore_mem>>)
      %dma_wait3A = arith.constant 0 : i32
      %dma_wait3A_45 = tpu.memref_slice %arg14[%add3A_12, %dma_wait3A] : memref<10240x144xf32, #tpu.memory_space<vmem_shared>> -> memref<120x144xf32, #tpu.memory_space<vmem_shared>>
      %dma_wait3A_46 = arith.constant 0 : i32
      %dma_wait3A_47 = tpu.memref_slice %arg14[%add3A_12, %dma_wait3A_46] : memref<10240x144xf32, #tpu.memory_space<vmem_shared>> -> memref<120x144xf32, #tpu.memory_space<vmem_shared>>
      tpu.wait_dma2 semaphore(%run_scoped3A_40 : memref<!tpu.dma_semaphore, #tpu.memory_space<semaphore_mem>>) src(%arg10 : memref<120x144xf32, #tpu.memory_space<vmem>>) dst(%dma_wait3A_47 : memref<120x144xf32, #tpu.memory_space<vmem_shared>>)
      tpu.yield
    }) : () -> ()
    %add3A_13 = arith.constant 120 : i32
    %add3A_14 = arith.addi %mul3A_10, %add3A_13 : i32
    "tpu.region"() ({
      %run_scoped3A_40 = tpu.sem_alloc : memref<!tpu.dma_semaphore, #tpu.memory_space<semaphore_mem>>
      %dma_start3A_41 = arith.constant 0 : i32
      %dma_start3A_42 = tpu.memref_slice %arg14[%add3A_14, %dma_start3A_41] : memref<10240x144xf32, #tpu.memory_space<vmem_shared>> -> memref<120x144xf32, #tpu.memory_space<vmem_shared>>
      %dma_start3A_43 = arith.constant 0 : i32
      %dma_start3A_44 = tpu.memref_slice %arg14[%add3A_14, %dma_start3A_43] : memref<10240x144xf32, #tpu.memory_space<vmem_shared>> -> memref<120x144xf32, #tpu.memory_space<vmem_shared>>
      tpu.enqueue_dma source(%arg10 : memref<120x144xf32, #tpu.memory_space<vmem>>) target(%dma_start3A_44 : memref<120x144xf32, #tpu.memory_space<vmem_shared>>) target_semaphore(%run_scoped3A_40 : memref<!tpu.dma_semaphore, #tpu.memory_space<semaphore_mem>>)
      %dma_wait3A = arith.constant 0 : i32
      %dma_wait3A_45 = tpu.memref_slice %arg14[%add3A_14, %dma_wait3A] : memref<10240x144xf32, #tpu.memory_space<vmem_shared>> -> memref<120x144xf32, #tpu.memory_space<vmem_shared>>
      %dma_wait3A_46 = arith.constant 0 : i32
      %dma_wait3A_47 = tpu.memref_slice %arg14[%add3A_14, %dma_wait3A_46] : memref<10240x144xf32, #tpu.memory_space<vmem_shared>> -> memref<120x144xf32, #tpu.memory_space<vmem_shared>>
      tpu.wait_dma2 semaphore(%run_scoped3A_40 : memref<!tpu.dma_semaphore, #tpu.memory_space<semaphore_mem>>) src(%arg10 : memref<120x144xf32, #tpu.memory_space<vmem>>) dst(%dma_wait3A_47 : memref<120x144xf32, #tpu.memory_space<vmem_shared>>)
      tpu.yield
    }) : () -> ()
    %add3A_15 = arith.constant 240 : i32
    %add3A_16 = arith.addi %mul3A_10, %add3A_15 : i32
    "tpu.region"() ({
      %run_scoped3A_40 = tpu.sem_alloc : memref<!tpu.dma_semaphore, #tpu.memory_space<semaphore_mem>>
      %dma_start3A_41 = arith.constant 0 : i32
      %dma_start3A_42 = tpu.memref_slice %arg14[%add3A_16, %dma_start3A_41] : memref<10240x144xf32, #tpu.memory_space<vmem_shared>> -> memref<120x144xf32, #tpu.memory_space<vmem_shared>>
      %dma_start3A_43 = arith.constant 0 : i32
      %dma_start3A_44 = tpu.memref_slice %arg14[%add3A_16, %dma_start3A_43] : memref<10240x144xf32, #tpu.memory_space<vmem_shared>> -> memref<120x144xf32, #tpu.memory_space<vmem_shared>>
      tpu.enqueue_dma source(%arg10 : memref<120x144xf32, #tpu.memory_space<vmem>>) target(%dma_start3A_44 : memref<120x144xf32, #tpu.memory_space<vmem_shared>>) target_semaphore(%run_scoped3A_40 : memref<!tpu.dma_semaphore, #tpu.memory_space<semaphore_mem>>)
      %dma_wait3A = arith.constant 0 : i32
      %dma_wait3A_45 = tpu.memref_slice %arg14[%add3A_16, %dma_wait3A] : memref<10240x144xf32, #tpu.memory_space<vmem_shared>> -> memref<120x144xf32, #tpu.memory_space<vmem_shared>>
      %dma_wait3A_46 = arith.constant 0 : i32
      %dma_wait3A_47 = tpu.memref_slice %arg14[%add3A_16, %dma_wait3A_46] : memref<10240x144xf32, #tpu.memory_space<vmem_shared>> -> memref<120x144xf32, #tpu.memory_space<vmem_shared>>
      tpu.wait_dma2 semaphore(%run_scoped3A_40 : memref<!tpu.dma_semaphore, #tpu.memory_space<semaphore_mem>>) src(%arg10 : memref<120x144xf32, #tpu.memory_space<vmem>>) dst(%dma_wait3A_47 : memref<120x144xf32, #tpu.memory_space<vmem_shared>>)
      tpu.yield
    }) : () -> ()
    %add3A_17 = arith.constant 360 : i32
    %add3A_18 = arith.addi %mul3A_10, %add3A_17 : i32
    "tpu.region"() ({
      %run_scoped3A_40 = tpu.sem_alloc : memref<!tpu.dma_semaphore, #tpu.memory_space<semaphore_mem>>
      %dma_start3A_41 = arith.constant 0 : i32
      %dma_start3A_42 = tpu.memref_slice %arg14[%add3A_18, %dma_start3A_41] : memref<10240x144xf32, #tpu.memory_space<vmem_shared>> -> memref<120x144xf32, #tpu.memory_space<vmem_shared>>
      %dma_start3A_43 = arith.constant 0 : i32
      %dma_start3A_44 = tpu.memref_slice %arg14[%add3A_18, %dma_start3A_43] : memref<10240x144xf32, #tpu.memory_space<vmem_shared>> -> memref<120x144xf32, #tpu.memory_space<vmem_shared>>
      tpu.enqueue_dma source(%arg10 : memref<120x144xf32, #tpu.memory_space<vmem>>) target(%dma_start3A_44 : memref<120x144xf32, #tpu.memory_space<vmem_shared>>) target_semaphore(%run_scoped3A_40 : memref<!tpu.dma_semaphore, #tpu.memory_space<semaphore_mem>>)
      %dma_wait3A = arith.constant 0 : i32
      %dma_wait3A_45 = tpu.memref_slice %arg14[%add3A_18, %dma_wait3A] : memref<10240x144xf32, #tpu.memory_space<vmem_shared>> -> memref<120x144xf32, #tpu.memory_space<vmem_shared>>
      %dma_wait3A_46 = arith.constant 0 : i32
      %dma_wait3A_47 = tpu.memref_slice %arg14[%add3A_18, %dma_wait3A_46] : memref<10240x144xf32, #tpu.memory_space<vmem_shared>> -> memref<120x144xf32, #tpu.memory_space<vmem_shared>>
      tpu.wait_dma2 semaphore(%run_scoped3A_40 : memref<!tpu.dma_semaphore, #tpu.memory_space<semaphore_mem>>) src(%arg10 : memref<120x144xf32, #tpu.memory_space<vmem>>) dst(%dma_wait3A_47 : memref<120x144xf32, #tpu.memory_space<vmem_shared>>)
      tpu.yield
    }) : () -> ()
    %add3A_19 = arith.constant 480 : i32
    %add3A_20 = arith.addi %mul3A_10, %add3A_19 : i32
    "tpu.region"() ({
      %run_scoped3A_40 = tpu.sem_alloc : memref<!tpu.dma_semaphore, #tpu.memory_space<semaphore_mem>>
      %dma_start3A_41 = arith.constant 0 : i32
      %dma_start3A_42 = tpu.memref_slice %arg14[%add3A_20, %dma_start3A_41] : memref<10240x144xf32, #tpu.memory_space<vmem_shared>> -> memref<120x144xf32, #tpu.memory_space<vmem_shared>>
      %dma_start3A_43 = arith.constant 0 : i32
      %dma_start3A_44 = tpu.memref_slice %arg14[%add3A_20, %dma_start3A_43] : memref<10240x144xf32, #tpu.memory_space<vmem_shared>> -> memref<120x144xf32, #tpu.memory_space<vmem_shared>>
      tpu.enqueue_dma source(%arg10 : memref<120x144xf32, #tpu.memory_space<vmem>>) target(%dma_start3A_44 : memref<120x144xf32, #tpu.memory_space<vmem_shared>>) target_semaphore(%run_scoped3A_40 : memref<!tpu.dma_semaphore, #tpu.memory_space<semaphore_mem>>)
      %dma_wait3A = arith.constant 0 : i32
      %dma_wait3A_45 = tpu.memref_slice %arg14[%add3A_20, %dma_wait3A] : memref<10240x144xf32, #tpu.memory_space<vmem_shared>> -> memref<120x144xf32, #tpu.memory_space<vmem_shared>>
      %dma_wait3A_46 = arith.constant 0 : i32
      %dma_wait3A_47 = tpu.memref_slice %arg14[%add3A_20, %dma_wait3A_46] : memref<10240x144xf32, #tpu.memory_space<vmem_shared>> -> memref<120x144xf32, #tpu.memory_space<vmem_shared>>
      tpu.wait_dma2 semaphore(%run_scoped3A_40 : memref<!tpu.dma_semaphore, #tpu.memory_space<semaphore_mem>>) src(%arg10 : memref<120x144xf32, #tpu.memory_space<vmem>>) dst(%dma_wait3A_47 : memref<120x144xf32, #tpu.memory_space<vmem_shared>>)
      tpu.yield
    }) : () -> ()
    %add3A_21 = arith.constant 600 : i32
    %add3A_22 = arith.addi %mul3A_10, %add3A_21 : i32
    "tpu.region"() ({
      %run_scoped3A_40 = tpu.sem_alloc : memref<!tpu.dma_semaphore, #tpu.memory_space<semaphore_mem>>
      %dma_start3A_41 = arith.constant 0 : i32
      %dma_start3A_42 = arith.constant 0 : i32
      %dma_start3A_43 = tpu.memref_slice %arg10[%dma_start3A_41, %dma_start3A_42] : memref<120x144xf32, #tpu.memory_space<vmem>> -> memref<40x144xf32, #tpu.memory_space<vmem>>
      %dma_start3A_44 = arith.constant 0 : i32
      %dma_start3A_45 = tpu.memref_slice %arg14[%add3A_22, %dma_start3A_44] : memref<10240x144xf32, #tpu.memory_space<vmem_shared>> -> memref<40x144xf32, #tpu.memory_space<vmem_shared>>
      %dma_start3A_46 = arith.constant 0 : i32
      %dma_start3A_47 = tpu.memref_slice %arg14[%add3A_22, %dma_start3A_46] : memref<10240x144xf32, #tpu.memory_space<vmem_shared>> -> memref<40x144xf32, #tpu.memory_space<vmem_shared>>
      %dma_start3A_48 = arith.constant 0 : i32
      %dma_start3A_49 = arith.constant 0 : i32
      %dma_start3A_50 = tpu.memref_slice %arg10[%dma_start3A_48, %dma_start3A_49] : memref<120x144xf32, #tpu.memory_space<vmem>> -> memref<40x144xf32, #tpu.memory_space<vmem>>
      tpu.enqueue_dma source(%dma_start3A_50 : memref<40x144xf32, #tpu.memory_space<vmem>>) target(%dma_start3A_47 : memref<40x144xf32, #tpu.memory_space<vmem_shared>>) target_semaphore(%run_scoped3A_40 : memref<!tpu.dma_semaphore, #tpu.memory_space<semaphore_mem>>)
      %dma_wait3A = arith.constant 0 : i32
      %dma_wait3A_51 = arith.constant 0 : i32
      %dma_wait3A_52 = tpu.memref_slice %arg10[%dma_wait3A, %dma_wait3A_51] : memref<120x144xf32, #tpu.memory_space<vmem>> -> memref<40x144xf32, #tpu.memory_space<vmem>>
      %dma_wait3A_53 = arith.constant 0 : i32
      %dma_wait3A_54 = tpu.memref_slice %arg14[%add3A_22, %dma_wait3A_53] : memref<10240x144xf32, #tpu.memory_space<vmem_shared>> -> memref<40x144xf32, #tpu.memory_space<vmem_shared>>
      %dma_wait3A_55 = arith.constant 0 : i32
      %dma_wait3A_56 = tpu.memref_slice %arg14[%add3A_22, %dma_wait3A_55] : memref<10240x144xf32, #tpu.memory_space<vmem_shared>> -> memref<40x144xf32, #tpu.memory_space<vmem_shared>>
      %dma_wait3A_57 = arith.constant 0 : i32
      %dma_wait3A_58 = arith.constant 0 : i32
      %dma_wait3A_59 = tpu.memref_slice %arg10[%dma_wait3A_57, %dma_wait3A_58] : memref<120x144xf32, #tpu.memory_space<vmem>> -> memref<40x144xf32, #tpu.memory_space<vmem>>
      tpu.wait_dma2 semaphore(%run_scoped3A_40 : memref<!tpu.dma_semaphore, #tpu.memory_space<semaphore_mem>>) src(%dma_wait3A_59 : memref<40x144xf32, #tpu.memory_space<vmem>>) dst(%dma_wait3A_56 : memref<40x144xf32, #tpu.memory_space<vmem_shared>>)
      tpu.yield
    }) : () -> ()
    %barrier3A = arith.constant 0 : index
    tpu.barrier barrier_id(%barrier3A)
    %add3A_23 = arith.constant 0 : i32
    %add3A_24 = arith.addi %mul3A_2, %add3A_23 : i32
    %mul3A_25 = arith.constant 120 : i32
    %mul3A_26 = arith.muli %add3A_24, %mul3A_25 : i32
    %run_scoped3A = arith.constant 0 : i32
    "tpu.region"() ({
      %run_scoped3A_40 = tpu.sem_alloc : memref<!tpu.dma_semaphore, #tpu.memory_space<semaphore_mem>>
      %dma_start3A_41 = tpu.memref_slice %arg4[%run_scoped3A, %mul3A_26] : memref<2x322560xi32, #tpu.memory_space<hbm>> -> memref<1x120xi32, #tpu.memory_space<hbm>>
      %dma_start3A_42 = tpu.memref_squeeze %dma_start3A_41 : memref<1x120xi32, #tpu.memory_space<hbm>> -> memref<120xi32, #tpu.memory_space<hbm>>
      %dma_start3A_43 = tpu.memref_slice %arg4[%run_scoped3A, %mul3A_26] : memref<2x322560xi32, #tpu.memory_space<hbm>> -> memref<1x120xi32, #tpu.memory_space<hbm>>
      %dma_start3A_44 = tpu.memref_squeeze %dma_start3A_43 : memref<1x120xi32, #tpu.memory_space<hbm>> -> memref<120xi32, #tpu.memory_space<hbm>>
      tpu.enqueue_dma source(%dma_start3A_44 : memref<120xi32, #tpu.memory_space<hbm>>) target(%arg6 : memref<120xi32, #tpu.memory_space<vmem>>) target_semaphore(%run_scoped3A_40 : memref<!tpu.dma_semaphore, #tpu.memory_space<semaphore_mem>>)
      %dma_wait3A = tpu.memref_slice %arg4[%run_scoped3A, %mul3A_26] : memref<2x322560xi32, #tpu.memory_space<hbm>> -> memref<1x120xi32, #tpu.memory_space<hbm>>
      %dma_wait3A_45 = tpu.memref_squeeze %dma_wait3A : memref<1x120xi32, #tpu.memory_space<hbm>> -> memref<120xi32, #tpu.memory_space<hbm>>
      %dma_wait3A_46 = tpu.memref_slice %arg4[%run_scoped3A, %mul3A_26] : memref<2x322560xi32, #tpu.memory_space<hbm>> -> memref<1x120xi32, #tpu.memory_space<hbm>>
      %dma_wait3A_47 = tpu.memref_squeeze %dma_wait3A_46 : memref<1x120xi32, #tpu.memory_space<hbm>> -> memref<120xi32, #tpu.memory_space<hbm>>
      tpu.wait_dma2 semaphore(%run_scoped3A_40 : memref<!tpu.dma_semaphore, #tpu.memory_space<semaphore_mem>>) src(%dma_wait3A_47 : memref<120xi32, #tpu.memory_space<hbm>>) dst(%arg6 : memref<120xi32, #tpu.memory_space<vmem>>)
      tpu.yield
    }) : () -> ()
    %run_scoped3A_27 = arith.constant 1 : i32
    "tpu.region"() ({
      %run_scoped3A_40 = tpu.sem_alloc : memref<!tpu.dma_semaphore, #tpu.memory_space<semaphore_mem>>
      %dma_start3A_41 = tpu.memref_slice %arg4[%run_scoped3A_27, %mul3A_26] : memref<2x322560xi32, #tpu.memory_space<hbm>> -> memref<1x120xi32, #tpu.memory_space<hbm>>
      %dma_start3A_42 = tpu.memref_squeeze %dma_start3A_41 : memref<1x120xi32, #tpu.memory_space<hbm>> -> memref<120xi32, #tpu.memory_space<hbm>>
      %dma_start3A_43 = tpu.memref_slice %arg4[%run_scoped3A_27, %mul3A_26] : memref<2x322560xi32, #tpu.memory_space<hbm>> -> memref<1x120xi32, #tpu.memory_space<hbm>>
      %dma_start3A_44 = tpu.memref_squeeze %dma_start3A_43 : memref<1x120xi32, #tpu.memory_space<hbm>> -> memref<120xi32, #tpu.memory_space<hbm>>
      tpu.enqueue_dma source(%dma_start3A_44 : memref<120xi32, #tpu.memory_space<hbm>>) target(%arg7 : memref<120xi32, #tpu.memory_space<vmem>>) target_semaphore(%run_scoped3A_40 : memref<!tpu.dma_semaphore, #tpu.memory_space<semaphore_mem>>)
      %dma_wait3A = tpu.memref_slice %arg4[%run_scoped3A_27, %mul3A_26] : memref<2x322560xi32, #tpu.memory_space<hbm>> -> memref<1x120xi32, #tpu.memory_space<hbm>>
      %dma_wait3A_45 = tpu.memref_squeeze %dma_wait3A : memref<1x120xi32, #tpu.memory_space<hbm>> -> memref<120xi32, #tpu.memory_space<hbm>>
      %dma_wait3A_46 = tpu.memref_slice %arg4[%run_scoped3A_27, %mul3A_26] : memref<2x322560xi32, #tpu.memory_space<hbm>> -> memref<1x120xi32, #tpu.memory_space<hbm>>
      %dma_wait3A_47 = tpu.memref_squeeze %dma_wait3A_46 : memref<1x120xi32, #tpu.memory_space<hbm>> -> memref<120xi32, #tpu.memory_space<hbm>>
      tpu.wait_dma2 semaphore(%run_scoped3A_40 : memref<!tpu.dma_semaphore, #tpu.memory_space<semaphore_mem>>) src(%dma_wait3A_47 : memref<120xi32, #tpu.memory_space<hbm>>) dst(%arg7 : memref<120xi32, #tpu.memory_space<vmem>>)
      tpu.yield
    }) : () -> ()
    %dma_start3A = arith.constant 0 : i32
    %dma_start3A_28 = arith.constant 0 : i32
    %dma_start3A_29 = tpu.memref_slice %arg2[%dma_start3A, %dma_start3A_28] : memref<10240x144xf32, #tpu.memory_space<hbm>> -> memref<10240x144xf32, #tpu.memory_space<hbm>>
    tpu.enqueue_indirect_dma source(%dma_start3A_29 : memref<10240x144xf32, #tpu.memory_space<hbm>>) target(%arg10 : memref<120x144xf32, #tpu.memory_space<vmem>>) offsets(%arg6 : memref<120xi32, #tpu.memory_space<vmem>>) semaphore(%arg15 : memref<!tpu.dma_semaphore, #tpu.memory_space<semaphore_mem>>)
    %dma_start3A_30 = arith.constant 0 : i32
    %dma_start3A_31 = arith.constant 0 : i32
    %dma_start3A_32 = tpu.memref_slice %arg3[%dma_start3A_30, %dma_start3A_31] : memref<10240x16xf32, #tpu.memory_space<hbm>> -> memref<10240x16xf32, #tpu.memory_space<hbm>>
    tpu.enqueue_indirect_dma source(%dma_start3A_32 : memref<10240x16xf32, #tpu.memory_space<hbm>>) target(%arg12 : memref<120x16xf32, #tpu.memory_space<vmem>>) offsets(%arg7 : memref<120xi32, #tpu.memory_space<vmem>>) semaphore(%arg16 : memref<!tpu.dma_semaphore, #tpu.memory_space<semaphore_mem>>)
    %scan3A_33 = arith.constant 0 : i32
    %scan3A_34 = arith.constant 0 : i32
    %scan3A_35 = arith.constant 42 : i32
    %scan3A_36 = arith.addi %scan3A_34, %scan3A_35 : i32
    %scan3A_37 = arith.constant 1 : i32
    scf.for %scan3A_40 = %scan3A_34 to %scan3A_36 step %scan3A_37  : i32 {
      %mul3A_41 = arith.constant 2 : i32
      %mul3A_42 = arith.muli %mul3A_41, %scan3A_40 : i32
      %add3A_43 = arith.constant 1 : i32
      %add3A_44 = arith.addi %mul3A_42, %add3A_43 : i32
      %add3A_45 = arith.addi %mul3A_2, %add3A_44 : i32
      %mul3A_46 = arith.constant 120 : i32
      %mul3A_47 = arith.muli %add3A_45, %mul3A_46 : i32
      %run_scoped3A_48 = arith.constant 0 : i32
      "tpu.region"() ({
        %run_scoped3A_81 = tpu.sem_alloc : memref<!tpu.dma_semaphore, #tpu.memory_space<semaphore_mem>>
        %dma_start3A_82 = tpu.memref_slice %arg4[%run_scoped3A_48, %mul3A_47] : memref<2x322560xi32, #tpu.memory_space<hbm>> -> memref<1x120xi32, #tpu.memory_space<hbm>>
        %dma_start3A_83 = tpu.memref_squeeze %dma_start3A_82 : memref<1x120xi32, #tpu.memory_space<hbm>> -> memref<120xi32, #tpu.memory_space<hbm>>
        %dma_start3A_84 = tpu.memref_slice %arg4[%run_scoped3A_48, %mul3A_47] : memref<2x322560xi32, #tpu.memory_space<hbm>> -> memref<1x120xi32, #tpu.memory_space<hbm>>
        %dma_start3A_85 = tpu.memref_squeeze %dma_start3A_84 : memref<1x120xi32, #tpu.memory_space<hbm>> -> memref<120xi32, #tpu.memory_space<hbm>>
        tpu.enqueue_dma source(%dma_start3A_85 : memref<120xi32, #tpu.memory_space<hbm>>) target(%arg8 : memref<120xi32, #tpu.memory_space<vmem>>) target_semaphore(%run_scoped3A_81 : memref<!tpu.dma_semaphore, #tpu.memory_space<semaphore_mem>>)
        %dma_wait3A_86 = tpu.memref_slice %arg4[%run_scoped3A_48, %mul3A_47] : memref<2x322560xi32, #tpu.memory_space<hbm>> -> memref<1x120xi32, #tpu.memory_space<hbm>>
        %dma_wait3A_87 = tpu.memref_squeeze %dma_wait3A_86 : memref<1x120xi32, #tpu.memory_space<hbm>> -> memref<120xi32, #tpu.memory_space<hbm>>
        %dma_wait3A_88 = tpu.memref_slice %arg4[%run_scoped3A_48, %mul3A_47] : memref<2x322560xi32, #tpu.memory_space<hbm>> -> memref<1x120xi32, #tpu.memory_space<hbm>>
        %dma_wait3A_89 = tpu.memref_squeeze %dma_wait3A_88 : memref<1x120xi32, #tpu.memory_space<hbm>> -> memref<120xi32, #tpu.memory_space<hbm>>
        tpu.wait_dma2 semaphore(%run_scoped3A_81 : memref<!tpu.dma_semaphore, #tpu.memory_space<semaphore_mem>>) src(%dma_wait3A_89 : memref<120xi32, #tpu.memory_space<hbm>>) dst(%arg8 : memref<120xi32, #tpu.memory_space<vmem>>)
        tpu.yield
      }) : () -> ()
      %run_scoped3A_49 = arith.constant 1 : i32
      "tpu.region"() ({
        %run_scoped3A_81 = tpu.sem_alloc : memref<!tpu.dma_semaphore, #tpu.memory_space<semaphore_mem>>
        %dma_start3A_82 = tpu.memref_slice %arg4[%run_scoped3A_49, %mul3A_47] : memref<2x322560xi32, #tpu.memory_space<hbm>> -> memref<1x120xi32, #tpu.memory_space<hbm>>
        %dma_start3A_83 = tpu.memref_squeeze %dma_start3A_82 : memref<1x120xi32, #tpu.memory_space<hbm>> -> memref<120xi32, #tpu.memory_space<hbm>>
        %dma_start3A_84 = tpu.memref_slice %arg4[%run_scoped3A_49, %mul3A_47] : memref<2x322560xi32, #tpu.memory_space<hbm>> -> memref<1x120xi32, #tpu.memory_space<hbm>>
        %dma_start3A_85 = tpu.memref_squeeze %dma_start3A_84 : memref<1x120xi32, #tpu.memory_space<hbm>> -> memref<120xi32, #tpu.memory_space<hbm>>
        tpu.enqueue_dma source(%dma_start3A_85 : memref<120xi32, #tpu.memory_space<hbm>>) target(%arg9 : memref<120xi32, #tpu.memory_space<vmem>>) target_semaphore(%run_scoped3A_81 : memref<!tpu.dma_semaphore, #tpu.memory_space<semaphore_mem>>)
        %dma_wait3A_86 = tpu.memref_slice %arg4[%run_scoped3A_49, %mul3A_47] : memref<2x322560xi32, #tpu.memory_space<hbm>> -> memref<1x120xi32, #tpu.memory_space<hbm>>
        %dma_wait3A_87 = tpu.memref_squeeze %dma_wait3A_86 : memref<1x120xi32, #tpu.memory_space<hbm>> -> memref<120xi32, #tpu.memory_space<hbm>>
        %dma_wait3A_88 = tpu.memref_slice %arg4[%run_scoped3A_49, %mul3A_47] : memref<2x322560xi32, #tpu.memory_space<hbm>> -> memref<1x120xi32, #tpu.memory_space<hbm>>
        %dma_wait3A_89 = tpu.memref_squeeze %dma_wait3A_88 : memref<1x120xi32, #tpu.memory_space<hbm>> -> memref<120xi32, #tpu.memory_space<hbm>>
        tpu.wait_dma2 semaphore(%run_scoped3A_81 : memref<!tpu.dma_semaphore, #tpu.memory_space<semaphore_mem>>) src(%dma_wait3A_89 : memref<120xi32, #tpu.memory_space<hbm>>) dst(%arg9 : memref<120xi32, #tpu.memory_space<vmem>>)
        tpu.yield
      }) : () -> ()
      %dma_start3A_50 = arith.constant 0 : i32
      %dma_start3A_51 = arith.constant 0 : i32
      %dma_start3A_52 = tpu.memref_slice %arg2[%dma_start3A_50, %dma_start3A_51] : memref<10240x144xf32, #tpu.memory_space<hbm>> -> memref<10240x144xf32, #tpu.memory_space<hbm>>
      tpu.enqueue_indirect_dma source(%dma_start3A_52 : memref<10240x144xf32, #tpu.memory_space<hbm>>) target(%arg11 : memref<120x144xf32, #tpu.memory_space<vmem>>) offsets(%arg8 : memref<120xi32, #tpu.memory_space<vmem>>) semaphore(%arg17 : memref<!tpu.dma_semaphore, #tpu.memory_space<semaphore_mem>>)
      %dma_start3A_53 = arith.constant 0 : i32
      %dma_start3A_54 = arith.constant 0 : i32
      %dma_start3A_55 = tpu.memref_slice %arg3[%dma_start3A_53, %dma_start3A_54] : memref<10240x16xf32, #tpu.memory_space<hbm>> -> memref<10240x16xf32, #tpu.memory_space<hbm>>
      tpu.enqueue_indirect_dma source(%dma_start3A_55 : memref<10240x16xf32, #tpu.memory_space<hbm>>) target(%arg13 : memref<120x16xf32, #tpu.memory_space<vmem>>) offsets(%arg9 : memref<120xi32, #tpu.memory_space<vmem>>) semaphore(%arg18 : memref<!tpu.dma_semaphore, #tpu.memory_space<semaphore_mem>>)
      %dma_wait3A = arith.constant 0 : i32
      %dma_wait3A_56 = arith.constant 0 : i32
      %dma_wait3A_57 = tpu.memref_slice %arg2[%dma_wait3A, %dma_wait3A_56] : memref<10240x144xf32, #tpu.memory_space<hbm>> -> memref<10240x144xf32, #tpu.memory_space<hbm>>
      tpu.wait_indirect_dma semaphore(%arg15 : memref<!tpu.dma_semaphore, #tpu.memory_space<semaphore_mem>>) src(%dma_wait3A_57 : memref<10240x144xf32, #tpu.memory_space<hbm>>) dst(%arg10 : memref<120x144xf32, #tpu.memory_space<vmem>>)
      %dma_wait3A_58 = arith.constant 0 : i32
      %dma_wait3A_59 = arith.constant 0 : i32
      %dma_wait3A_60 = tpu.memref_slice %arg3[%dma_wait3A_58, %dma_wait3A_59] : memref<10240x16xf32, #tpu.memory_space<hbm>> -> memref<10240x16xf32, #tpu.memory_space<hbm>>
      tpu.wait_indirect_dma semaphore(%arg16 : memref<!tpu.dma_semaphore, #tpu.memory_space<semaphore_mem>>) src(%dma_wait3A_60 : memref<10240x16xf32, #tpu.memory_space<hbm>>) dst(%arg12 : memref<120x16xf32, #tpu.memory_space<vmem>>)
      %scan3A_61 = arith.constant 0 : i32
      %scan3A_62 = arith.constant 0 : i32
      %scan3A_63 = arith.constant 120 : i32
      %scan3A_64 = arith.addi %scan3A_62, %scan3A_63 : i32
      %scan3A_65 = arith.constant 1 : i32
      scf.for %scan3A_81 = %scan3A_62 to %scan3A_64 step %scan3A_65  : i32 {
        %get3A = arith.index_cast %scan3A_81 : i32 to index
        %get3A_82 = arith.constant 128 : index
        %get3A_83 = tpu.vector_load %arg10[%get3A, %get3A_82] {strides = array<i32>} : memref<120x144xf32, #tpu.memory_space<vmem>>, vector<1x16xf32>,
        %get3A_84 = vector.shape_cast %get3A_83 : vector<1x16xf32> to vector<16xf32>
        %get3A_85 = arith.index_cast %scan3A_81 : i32 to index
        %get3A_86 = arith.constant 0 : index
        %get3A_87 = tpu.vector_load %arg12[%get3A_85, %get3A_86] {strides = array<i32>} : memref<120x16xf32, #tpu.memory_space<vmem>>, vector<1x16xf32>,
        %get3A_88 = vector.shape_cast %get3A_87 : vector<1x16xf32> to vector<16xf32>
        %add3A_89 = arith.addf %get3A_84, %get3A_88 : vector<16xf32>
        %ge3A = arith.constant 0.000000e+00 : f32
        %ge3A_90 = vector.broadcast %ge3A : f32 to vector<16xf32>
        %ge3A_91 = arith.cmpf oge, %add3A_89, %ge3A_90 : vector<16xf32>
        %mul3A_92 = arith.constant 2.000000e-01 : f32
        %mul3A_93 = vector.broadcast %mul3A_92 : f32 to vector<16xf32>
        %mul3A_94 = arith.mulf %mul3A_93, %add3A_89 : vector<16xf32>
        %select_n3A = arith.select %ge3A_91, %add3A_89, %mul3A_94 : vector<16xi1>, vector<16xf32>
        %lt3A_95 = arith.constant 8 : i32
        %lt3A_96 = vector.broadcast %lt3A_95 : i32 to vector<16xi32>
        %lt3A_97 = arith.cmpi slt, %iota3A, %lt3A_96 : vector<16xi32>
        %exp3A = math.exp %select_n3A : vector<16xf32>
        %jit3A = arith.constant 0.000000e+00 : f32
        %broadcast_in_dim3A_98 = vector.broadcast %jit3A : f32 to vector<16xf32>
        %select_n3A_99 = arith.select %lt3A_97, %exp3A, %broadcast_in_dim3A_98 : vector<16xi1>, vector<16xf32>
        %swap3A = arith.index_cast %scan3A_81 : i32 to index
        %swap3A_100 = arith.constant 128 : index
        %swap3A_101 = tpu.vector_load %arg10[%swap3A, %swap3A_100] {strides = array<i32>} : memref<120x144xf32, #tpu.memory_space<vmem>>, vector<1x16xf32>,
        %swap3A_102 = vector.shape_cast %swap3A_101 : vector<1x16xf32> to vector<16xf32>
        %swap3A_103 = vector.shape_cast %select_n3A_99 : vector<16xf32> to vector<1x16xf32>
        tpu.vector_store %arg10[%swap3A, %swap3A_100], %swap3A_103 {strides = array<i32>} : memref<120x144xf32, #tpu.memory_space<vmem>>, vector<1x16xf32>,
        %get3A_104 = arith.index_cast %scan3A_81 : i32 to index
        %get3A_105 = arith.constant 0 : index
        %get3A_106 = tpu.vector_load %arg10[%get3A_104, %get3A_105] {strides = array<i32>} : memref<120x144xf32, #tpu.memory_space<vmem>>, vector<1x16xf32>,
        %get3A_107 = vector.shape_cast %get3A_106 : vector<1x16xf32> to vector<16xf32>
        %slice3A = vector.extract_strided_slice %select_n3A_99 {offsets = [0], sizes = [1], strides = [1]} : vector<16xf32> to vector<1xf32>
        %squeeze3A = vector.extract %slice3A[0] : f32 from vector<1xf32>
        %mul3A_108 = vector.broadcast %squeeze3A : f32 to vector<16xf32>
        %mul3A_109 = arith.mulf %get3A_107, %mul3A_108 : vector<16xf32>
        %swap3A_110 = arith.index_cast %scan3A_81 : i32 to index
        %swap3A_111 = arith.constant 0 : index
        %swap3A_112 = tpu.vector_load %arg10[%swap3A_110, %swap3A_111] {strides = array<i32>} : memref<120x144xf32, #tpu.memory_space<vmem>>, vector<1x16xf32>,
        %swap3A_113 = vector.shape_cast %swap3A_112 : vector<1x16xf32> to vector<16xf32>
        %swap3A_114 = vector.shape_cast %mul3A_109 : vector<16xf32> to vector<1x16xf32>
        tpu.vector_store %arg10[%swap3A_110, %swap3A_111], %swap3A_114 {strides = array<i32>} : memref<120x144xf32, #tpu.memory_space<vmem>>, vector<1x16xf32>,
        %get3A_115 = arith.index_cast %scan3A_81 : i32 to index
        %get3A_116 = arith.constant 16 : index
        %get3A_117 = tpu.vector_load %arg10[%get3A_115, %get3A_116] {strides = array<i32>} : memref<120x144xf32, #tpu.memory_space<vmem>>, vector<1x16xf32>,
        %get3A_118 = vector.shape_cast %get3A_117 : vector<1x16xf32> to vector<16xf32>
        %slice3A_119 = vector.extract_strided_slice %select_n3A_99 {offsets = [1], sizes = [1], strides = [1]} : vector<16xf32> to vector<1xf32>
        %squeeze3A_120 = vector.extract %slice3A_119[0] : f32 from vector<1xf32>
        %mul3A_121 = vector.broadcast %squeeze3A_120 : f32 to vector<16xf32>
        %mul3A_122 = arith.mulf %get3A_118, %mul3A_121 : vector<16xf32>
        %swap3A_123 = arith.index_cast %scan3A_81 : i32 to index
        %swap3A_124 = arith.constant 16 : index
        %swap3A_125 = tpu.vector_load %arg10[%swap3A_123, %swap3A_124] {strides = array<i32>} : memref<120x144xf32, #tpu.memory_space<vmem>>, vector<1x16xf32>,
        %swap3A_126 = vector.shape_cast %swap3A_125 : vector<1x16xf32> to vector<16xf32>
        %swap3A_127 = vector.shape_cast %mul3A_122 : vector<16xf32> to vector<1x16xf32>
        tpu.vector_store %arg10[%swap3A_123, %swap3A_124], %swap3A_127 {strides = array<i32>} : memref<120x144xf32, #tpu.memory_space<vmem>>, vector<1x16xf32>,
        %get3A_128 = arith.index_cast %scan3A_81 : i32 to index
        %get3A_129 = arith.constant 32 : index
        %get3A_130 = tpu.vector_load %arg10[%get3A_128, %get3A_129] {strides = array<i32>} : memref<120x144xf32, #tpu.memory_space<vmem>>, vector<1x16xf32>,
        %get3A_131 = vector.shape_cast %get3A_130 : vector<1x16xf32> to vector<16xf32>
        %slice3A_132 = vector.extract_strided_slice %select_n3A_99 {offsets = [2], sizes = [1], strides = [1]} : vector<16xf32> to vector<1xf32>
        %squeeze3A_133 = vector.extract %slice3A_132[0] : f32 from vector<1xf32>
        %mul3A_134 = vector.broadcast %squeeze3A_133 : f32 to vector<16xf32>
        %mul3A_135 = arith.mulf %get3A_131, %mul3A_134 : vector<16xf32>
        %swap3A_136 = arith.index_cast %scan3A_81 : i32 to index
        %swap3A_137 = arith.constant 32 : index
        %swap3A_138 = tpu.vector_load %arg10[%swap3A_136, %swap3A_137] {strides = array<i32>} : memref<120x144xf32, #tpu.memory_space<vmem>>, vector<1x16xf32>,
        %swap3A_139 = vector.shape_cast %swap3A_138 : vector<1x16xf32> to vector<16xf32>
        %swap3A_140 = vector.shape_cast %mul3A_135 : vector<16xf32> to vector<1x16xf32>
        tpu.vector_store %arg10[%swap3A_136, %swap3A_137], %swap3A_140 {strides = array<i32>} : memref<120x144xf32, #tpu.memory_space<vmem>>, vector<1x16xf32>,
        %get3A_141 = arith.index_cast %scan3A_81 : i32 to index
        %get3A_142 = arith.constant 48 : index
        %get3A_143 = tpu.vector_load %arg10[%get3A_141, %get3A_142] {strides = array<i32>} : memref<120x144xf32, #tpu.memory_space<vmem>>, vector<1x16xf32>,
        %get3A_144 = vector.shape_cast %get3A_143 : vector<1x16xf32> to vector<16xf32>
        %slice3A_145 = vector.extract_strided_slice %select_n3A_99 {offsets = [3], sizes = [1], strides = [1]} : vector<16xf32> to vector<1xf32>
        %squeeze3A_146 = vector.extract %slice3A_145[0] : f32 from vector<1xf32>
        %mul3A_147 = vector.broadcast %squeeze3A_146 : f32 to vector<16xf32>
        %mul3A_148 = arith.mulf %get3A_144, %mul3A_147 : vector<16xf32>
        %swap3A_149 = arith.index_cast %scan3A_81 : i32 to index
        %swap3A_150 = arith.constant 48 : index
        %swap3A_151 = tpu.vector_load %arg10[%swap3A_149, %swap3A_150] {strides = array<i32>} : memref<120x144xf32, #tpu.memory_space<vmem>>, vector<1x16xf32>,
        %swap3A_152 = vector.shape_cast %swap3A_151 : vector<1x16xf32> to vector<16xf32>
        %swap3A_153 = vector.shape_cast %mul3A_148 : vector<16xf32> to vector<1x16xf32>
        tpu.vector_store %arg10[%swap3A_149, %swap3A_150], %swap3A_153 {strides = array<i32>} : memref<120x144xf32, #tpu.memory_space<vmem>>, vector<1x16xf32>,
        %get3A_154 = arith.index_cast %scan3A_81 : i32 to index
        %get3A_155 = arith.constant 64 : index
        %get3A_156 = tpu.vector_load %arg10[%get3A_154, %get3A_155] {strides = array<i32>} : memref<120x144xf32, #tpu.memory_space<vmem>>, vector<1x16xf32>,
        %get3A_157 = vector.shape_cast %get3A_156 : vector<1x16xf32> to vector<16xf32>
        %slice3A_158 = vector.extract_strided_slice %select_n3A_99 {offsets = [4], sizes = [1], strides = [1]} : vector<16xf32> to vector<1xf32>
        %squeeze3A_159 = vector.extract %slice3A_158[0] : f32 from vector<1xf32>
        %mul3A_160 = vector.broadcast %squeeze3A_159 : f32 to vector<16xf32>
        %mul3A_161 = arith.mulf %get3A_157, %mul3A_160 : vector<16xf32>
        %swap3A_162 = arith.index_cast %scan3A_81 : i32 to index
        %swap3A_163 = arith.constant 64 : index
        %swap3A_164 = tpu.vector_load %arg10[%swap3A_162, %swap3A_163] {strides = array<i32>} : memref<120x144xf32, #tpu.memory_space<vmem>>, vector<1x16xf32>,
        %swap3A_165 = vector.shape_cast %swap3A_164 : vector<1x16xf32> to vector<16xf32>
        %swap3A_166 = vector.shape_cast %mul3A_161 : vector<16xf32> to vector<1x16xf32>
        tpu.vector_store %arg10[%swap3A_162, %swap3A_163], %swap3A_166 {strides = array<i32>} : memref<120x144xf32, #tpu.memory_space<vmem>>, vector<1x16xf32>,
        %get3A_167 = arith.index_cast %scan3A_81 : i32 to index
        %get3A_168 = arith.constant 80 : index
        %get3A_169 = tpu.vector_load %arg10[%get3A_167, %get3A_168] {strides = array<i32>} : memref<120x144xf32, #tpu.memory_space<vmem>>, vector<1x16xf32>,
        %get3A_170 = vector.shape_cast %get3A_169 : vector<1x16xf32> to vector<16xf32>
        %slice3A_171 = vector.extract_strided_slice %select_n3A_99 {offsets = [5], sizes = [1], strides = [1]} : vector<16xf32> to vector<1xf32>
        %squeeze3A_172 = vector.extract %slice3A_171[0] : f32 from vector<1xf32>
        %mul3A_173 = vector.broadcast %squeeze3A_172 : f32 to vector<16xf32>
        %mul3A_174 = arith.mulf %get3A_170, %mul3A_173 : vector<16xf32>
        %swap3A_175 = arith.index_cast %scan3A_81 : i32 to index
        %swap3A_176 = arith.constant 80 : index
        %swap3A_177 = tpu.vector_load %arg10[%swap3A_175, %swap3A_176] {strides = array<i32>} : memref<120x144xf32, #tpu.memory_space<vmem>>, vector<1x16xf32>,
        %swap3A_178 = vector.shape_cast %swap3A_177 : vector<1x16xf32> to vector<16xf32>
        %swap3A_179 = vector.shape_cast %mul3A_174 : vector<16xf32> to vector<1x16xf32>
        tpu.vector_store %arg10[%swap3A_175, %swap3A_176], %swap3A_179 {strides = array<i32>} : memref<120x144xf32, #tpu.memory_space<vmem>>, vector<1x16xf32>,
        %get3A_180 = arith.index_cast %scan3A_81 : i32 to index
        %get3A_181 = arith.constant 96 : index
        %get3A_182 = tpu.vector_load %arg10[%get3A_180, %get3A_181] {strides = array<i32>} : memref<120x144xf32, #tpu.memory_space<vmem>>, vector<1x16xf32>,
        %get3A_183 = vector.shape_cast %get3A_182 : vector<1x16xf32> to vector<16xf32>
        %slice3A_184 = vector.extract_strided_slice %select_n3A_99 {offsets = [6], sizes = [1], strides = [1]} : vector<16xf32> to vector<1xf32>
        %squeeze3A_185 = vector.extract %slice3A_184[0] : f32 from vector<1xf32>
        %mul3A_186 = vector.broadcast %squeeze3A_185 : f32 to vector<16xf32>
        %mul3A_187 = arith.mulf %get3A_183, %mul3A_186 : vector<16xf32>
        %swap3A_188 = arith.index_cast %scan3A_81 : i32 to index
        %swap3A_189 = arith.constant 96 : index
        %swap3A_190 = tpu.vector_load %arg10[%swap3A_188, %swap3A_189] {strides = array<i32>} : memref<120x144xf32, #tpu.memory_space<vmem>>, vector<1x16xf32>,
        %swap3A_191 = vector.shape_cast %swap3A_190 : vector<1x16xf32> to vector<16xf32>
        %swap3A_192 = vector.shape_cast %mul3A_187 : vector<16xf32> to vector<1x16xf32>
        tpu.vector_store %arg10[%swap3A_188, %swap3A_189], %swap3A_192 {strides = array<i32>} : memref<120x144xf32, #tpu.memory_space<vmem>>, vector<1x16xf32>,
        %get3A_193 = arith.index_cast %scan3A_81 : i32 to index
        %get3A_194 = arith.constant 112 : index
        %get3A_195 = tpu.vector_load %arg10[%get3A_193, %get3A_194] {strides = array<i32>} : memref<120x144xf32, #tpu.memory_space<vmem>>, vector<1x16xf32>,
        %get3A_196 = vector.shape_cast %get3A_195 : vector<1x16xf32> to vector<16xf32>
        %slice3A_197 = vector.extract_strided_slice %select_n3A_99 {offsets = [7], sizes = [1], strides = [1]} : vector<16xf32> to vector<1xf32>
        %squeeze3A_198 = vector.extract %slice3A_197[0] : f32 from vector<1xf32>
        %mul3A_199 = vector.broadcast %squeeze3A_198 : f32 to vector<16xf32>
        %mul3A_200 = arith.mulf %get3A_196, %mul3A_199 : vector<16xf32>
        %swap3A_201 = arith.index_cast %scan3A_81 : i32 to index
        %swap3A_202 = arith.constant 112 : index
        %swap3A_203 = tpu.vector_load %arg10[%swap3A_201, %swap3A_202] {strides = array<i32>} : memref<120x144xf32, #tpu.memory_space<vmem>>, vector<1x16xf32>,
        %swap3A_204 = vector.shape_cast %swap3A_203 : vector<1x16xf32> to vector<16xf32>
        %swap3A_205 = vector.shape_cast %mul3A_200 : vector<16xf32> to vector<1x16xf32>
        tpu.vector_store %arg10[%swap3A_201, %swap3A_202], %swap3A_205 {strides = array<i32>} : memref<120x144xf32, #tpu.memory_space<vmem>>, vector<1x16xf32>,
      }
      %scan3A_66 = arith.constant 120 : i32
      "tpu.region"() ({
        %run_scoped3A_81 = tpu.sem_alloc : memref<!tpu.dma_semaphore, #tpu.memory_space<semaphore_mem>>
        %dma_start3A_82 = arith.constant 0 : i32
        %dma_start3A_83 = arith.constant 0 : i32
        %dma_start3A_84 = tpu.memref_slice %arg14[%dma_start3A_82, %dma_start3A_83] : memref<10240x144xf32, #tpu.memory_space<vmem_shared>> -> memref<10240x144xf32, #tpu.memory_space<vmem_shared>>
        tpu.enqueue_indirect_dma source(%arg10 : memref<120x144xf32, #tpu.memory_space<vmem>>) target(%dma_start3A_84 : memref<10240x144xf32, #tpu.memory_space<vmem_shared>>) offsets(%arg7 : memref<120xi32, #tpu.memory_space<vmem>>) semaphore(%run_scoped3A_81 : memref<!tpu.dma_semaphore, #tpu.memory_space<semaphore_mem>>) {add = true}
        %dma_wait3A_85 = arith.constant 0 : i32
        %dma_wait3A_86 = arith.constant 0 : i32
        %dma_wait3A_87 = tpu.memref_slice %arg14[%dma_wait3A_85, %dma_wait3A_86] : memref<10240x144xf32, #tpu.memory_space<vmem_shared>> -> memref<10240x144xf32, #tpu.memory_space<vmem_shared>>
        tpu.wait_indirect_dma semaphore(%run_scoped3A_81 : memref<!tpu.dma_semaphore, #tpu.memory_space<semaphore_mem>>) src(%arg10 : memref<120x144xf32, #tpu.memory_space<vmem>>) dst(%dma_wait3A_87 : memref<10240x144xf32, #tpu.memory_space<vmem_shared>>)
        tpu.yield
      }) : () -> ()
      %lt3A = arith.constant 41 : i32
      %lt3A_67 = arith.cmpi slt, %scan3A_40, %lt3A : i32
      %convert_element_type3A = arith.extui %lt3A_67 : i1 to i32
      %cond3A = arith.constant 0 : i32
      %cond3A_68 = arith.cmpi ne, %convert_element_type3A, %cond3A : i32
      scf.if %cond3A_68 {
        %add3A_81 = arith.constant 2 : i32
        %add3A_82 = arith.addi %mul3A_42, %add3A_81 : i32
        %add3A_83 = arith.addi %mul3A_2, %add3A_82 : i32
        %mul3A_84 = arith.constant 120 : i32
        %mul3A_85 = arith.muli %add3A_83, %mul3A_84 : i32
        %run_scoped3A_86 = arith.constant 0 : i32
        "tpu.region"() ({
          %run_scoped3A_94 = tpu.sem_alloc : memref<!tpu.dma_semaphore, #tpu.memory_space<semaphore_mem>>
          %dma_start3A_95 = tpu.memref_slice %arg4[%run_scoped3A_86, %mul3A_85] : memref<2x322560xi32, #tpu.memory_space<hbm>> -> memref<1x120xi32, #tpu.memory_space<hbm>>
          %dma_start3A_96 = tpu.memref_squeeze %dma_start3A_95 : memref<1x120xi32, #tpu.memory_space<hbm>> -> memref<120xi32, #tpu.memory_space<hbm>>
          %dma_start3A_97 = tpu.memref_slice %arg4[%run_scoped3A_86, %mul3A_85] : memref<2x322560xi32, #tpu.memory_space<hbm>> -> memref<1x120xi32, #tpu.memory_space<hbm>>
          %dma_start3A_98 = tpu.memref_squeeze %dma_start3A_97 : memref<1x120xi32, #tpu.memory_space<hbm>> -> memref<120xi32, #tpu.memory_space<hbm>>
          tpu.enqueue_dma source(%dma_start3A_98 : memref<120xi32, #tpu.memory_space<hbm>>) target(%arg6 : memref<120xi32, #tpu.memory_space<vmem>>) target_semaphore(%run_scoped3A_94 : memref<!tpu.dma_semaphore, #tpu.memory_space<semaphore_mem>>)
          %dma_wait3A_99 = tpu.memref_slice %arg4[%run_scoped3A_86, %mul3A_85] : memref<2x322560xi32, #tpu.memory_space<hbm>> -> memref<1x120xi32, #tpu.memory_space<hbm>>
          %dma_wait3A_100 = tpu.memref_squeeze %dma_wait3A_99 : memref<1x120xi32, #tpu.memory_space<hbm>> -> memref<120xi32, #tpu.memory_space<hbm>>
          %dma_wait3A_101 = tpu.memref_slice %arg4[%run_scoped3A_86, %mul3A_85] : memref<2x322560xi32, #tpu.memory_space<hbm>> -> memref<1x120xi32, #tpu.memory_space<hbm>>
          %dma_wait3A_102 = tpu.memref_squeeze %dma_wait3A_101 : memref<1x120xi32, #tpu.memory_space<hbm>> -> memref<120xi32, #tpu.memory_space<hbm>>
          tpu.wait_dma2 semaphore(%run_scoped3A_94 : memref<!tpu.dma_semaphore, #tpu.memory_space<semaphore_mem>>) src(%dma_wait3A_102 : memref<120xi32, #tpu.memory_space<hbm>>) dst(%arg6 : memref<120xi32, #tpu.memory_space<vmem>>)
          tpu.yield
        }) : () -> ()
        %run_scoped3A_87 = arith.constant 1 : i32
        "tpu.region"() ({
          %run_scoped3A_94 = tpu.sem_alloc : memref<!tpu.dma_semaphore, #tpu.memory_space<semaphore_mem>>
          %dma_start3A_95 = tpu.memref_slice %arg4[%run_scoped3A_87, %mul3A_85] : memref<2x322560xi32, #tpu.memory_space<hbm>> -> memref<1x120xi32, #tpu.memory_space<hbm>>
          %dma_start3A_96 = tpu.memref_squeeze %dma_start3A_95 : memref<1x120xi32, #tpu.memory_space<hbm>> -> memref<120xi32, #tpu.memory_space<hbm>>
          %dma_start3A_97 = tpu.memref_slice %arg4[%run_scoped3A_87, %mul3A_85] : memref<2x322560xi32, #tpu.memory_space<hbm>> -> memref<1x120xi32, #tpu.memory_space<hbm>>
          %dma_start3A_98 = tpu.memref_squeeze %dma_start3A_97 : memref<1x120xi32, #tpu.memory_space<hbm>> -> memref<120xi32, #tpu.memory_space<hbm>>
          tpu.enqueue_dma source(%dma_start3A_98 : memref<120xi32, #tpu.memory_space<hbm>>) target(%arg7 : memref<120xi32, #tpu.memory_space<vmem>>) target_semaphore(%run_scoped3A_94 : memref<!tpu.dma_semaphore, #tpu.memory_space<semaphore_mem>>)
          %dma_wait3A_99 = tpu.memref_slice %arg4[%run_scoped3A_87, %mul3A_85] : memref<2x322560xi32, #tpu.memory_space<hbm>> -> memref<1x120xi32, #tpu.memory_space<hbm>>
          %dma_wait3A_100 = tpu.memref_squeeze %dma_wait3A_99 : memref<1x120xi32, #tpu.memory_space<hbm>> -> memref<120xi32, #tpu.memory_space<hbm>>
          %dma_wait3A_101 = tpu.memref_slice %arg4[%run_scoped3A_87, %mul3A_85] : memref<2x322560xi32, #tpu.memory_space<hbm>> -> memref<1x120xi32, #tpu.memory_space<hbm>>
          %dma_wait3A_102 = tpu.memref_squeeze %dma_wait3A_101 : memref<1x120xi32, #tpu.memory_space<hbm>> -> memref<120xi32, #tpu.memory_space<hbm>>
          tpu.wait_dma2 semaphore(%run_scoped3A_94 : memref<!tpu.dma_semaphore, #tpu.memory_space<semaphore_mem>>) src(%dma_wait3A_102 : memref<120xi32, #tpu.memory_space<hbm>>) dst(%arg7 : memref<120xi32, #tpu.memory_space<vmem>>)
          tpu.yield
        }) : () -> ()
        %dma_start3A_88 = arith.constant 0 : i32
        %dma_start3A_89 = arith.constant 0 : i32
        %dma_start3A_90 = tpu.memref_slice %arg2[%dma_start3A_88, %dma_start3A_89] : memref<10240x144xf32, #tpu.memory_space<hbm>> -> memref<10240x144xf32, #tpu.memory_space<hbm>>
        tpu.enqueue_indirect_dma source(%dma_start3A_90 : memref<10240x144xf32, #tpu.memory_space<hbm>>) target(%arg10 : memref<120x144xf32, #tpu.memory_space<vmem>>) offsets(%arg6 : memref<120xi32, #tpu.memory_space<vmem>>) semaphore(%arg15 : memref<!tpu.dma_semaphore, #tpu.memory_space<semaphore_mem>>)
        %dma_start3A_91 = arith.constant 0 : i32
        %dma_start3A_92 = arith.constant 0 : i32
        %dma_start3A_93 = tpu.memref_slice %arg3[%dma_start3A_91, %dma_start3A_92] : memref<10240x16xf32, #tpu.memory_space<hbm>> -> memref<10240x16xf32, #tpu.memory_space<hbm>>
        tpu.enqueue_indirect_dma source(%dma_start3A_93 : memref<10240x16xf32, #tpu.memory_space<hbm>>) target(%arg12 : memref<120x16xf32, #tpu.memory_space<vmem>>) offsets(%arg7 : memref<120xi32, #tpu.memory_space<vmem>>) semaphore(%arg16 : memref<!tpu.dma_semaphore, #tpu.memory_space<semaphore_mem>>)
      } else {
      }
      %dma_wait3A_69 = arith.constant 0 : i32
      %dma_wait3A_70 = arith.constant 0 : i32
      %dma_wait3A_71 = tpu.memref_slice %arg2[%dma_wait3A_69, %dma_wait3A_70] : memref<10240x144xf32, #tpu.memory_space<hbm>> -> memref<10240x144xf32, #tpu.memory_space<hbm>>
      tpu.wait_indirect_dma semaphore(%arg17 : memref<!tpu.dma_semaphore, #tpu.memory_space<semaphore_mem>>) src(%dma_wait3A_71 : memref<10240x144xf32, #tpu.memory_space<hbm>>) dst(%arg11 : memref<120x144xf32, #tpu.memory_space<vmem>>)
      %dma_wait3A_72 = arith.constant 0 : i32
      %dma_wait3A_73 = arith.constant 0 : i32
      %dma_wait3A_74 = tpu.memref_slice %arg3[%dma_wait3A_72, %dma_wait3A_73] : memref<10240x16xf32, #tpu.memory_space<hbm>> -> memref<10240x16xf32, #tpu.memory_space<hbm>>
      tpu.wait_indirect_dma semaphore(%arg18 : memref<!tpu.dma_semaphore, #tpu.memory_space<semaphore_mem>>) src(%dma_wait3A_74 : memref<10240x16xf32, #tpu.memory_space<hbm>>) dst(%arg13 : memref<120x16xf32, #tpu.memory_space<vmem>>)
      %scan3A_75 = arith.constant 0 : i32
      %scan3A_76 = arith.constant 0 : i32
      %scan3A_77 = arith.constant 120 : i32
      %scan3A_78 = arith.addi %scan3A_76, %scan3A_77 : i32
      %scan3A_79 = arith.constant 1 : i32
      scf.for %scan3A_81 = %scan3A_76 to %scan3A_78 step %scan3A_79  : i32 {
        %get3A = arith.index_cast %scan3A_81 : i32 to index
        %get3A_82 = arith.constant 128 : index
        %get3A_83 = tpu.vector_load %arg11[%get3A, %get3A_82] {strides = array<i32>} : memref<120x144xf32, #tpu.memory_space<vmem>>, vector<1x16xf32>,
        %get3A_84 = vector.shape_cast %get3A_83 : vector<1x16xf32> to vector<16xf32>
        %get3A_85 = arith.index_cast %scan3A_81 : i32 to index
        %get3A_86 = arith.constant 0 : index
        %get3A_87 = tpu.vector_load %arg13[%get3A_85, %get3A_86] {strides = array<i32>} : memref<120x16xf32, #tpu.memory_space<vmem>>, vector<1x16xf32>,
        %get3A_88 = vector.shape_cast %get3A_87 : vector<1x16xf32> to vector<16xf32>
        %add3A_89 = arith.addf %get3A_84, %get3A_88 : vector<16xf32>
        %ge3A = arith.constant 0.000000e+00 : f32
        %ge3A_90 = vector.broadcast %ge3A : f32 to vector<16xf32>
        %ge3A_91 = arith.cmpf oge, %add3A_89, %ge3A_90 : vector<16xf32>
        %mul3A_92 = arith.constant 2.000000e-01 : f32
        %mul3A_93 = vector.broadcast %mul3A_92 : f32 to vector<16xf32>
        %mul3A_94 = arith.mulf %mul3A_93, %add3A_89 : vector<16xf32>
        %select_n3A = arith.select %ge3A_91, %add3A_89, %mul3A_94 : vector<16xi1>, vector<16xf32>
        %lt3A_95 = arith.constant 8 : i32
        %lt3A_96 = vector.broadcast %lt3A_95 : i32 to vector<16xi32>
        %lt3A_97 = arith.cmpi slt, %iota3A, %lt3A_96 : vector<16xi32>
        %exp3A = math.exp %select_n3A : vector<16xf32>
        %jit3A = arith.constant 0.000000e+00 : f32
        %broadcast_in_dim3A_98 = vector.broadcast %jit3A : f32 to vector<16xf32>
        %select_n3A_99 = arith.select %lt3A_97, %exp3A, %broadcast_in_dim3A_98 : vector<16xi1>, vector<16xf32>
        %swap3A = arith.index_cast %scan3A_81 : i32 to index
        %swap3A_100 = arith.constant 128 : index
        %swap3A_101 = tpu.vector_load %arg11[%swap3A, %swap3A_100] {strides = array<i32>} : memref<120x144xf32, #tpu.memory_space<vmem>>, vector<1x16xf32>,
        %swap3A_102 = vector.shape_cast %swap3A_101 : vector<1x16xf32> to vector<16xf32>
        %swap3A_103 = vector.shape_cast %select_n3A_99 : vector<16xf32> to vector<1x16xf32>
        tpu.vector_store %arg11[%swap3A, %swap3A_100], %swap3A_103 {strides = array<i32>} : memref<120x144xf32, #tpu.memory_space<vmem>>, vector<1x16xf32>,
        %get3A_104 = arith.index_cast %scan3A_81 : i32 to index
        %get3A_105 = arith.constant 0 : index
        %get3A_106 = tpu.vector_load %arg11[%get3A_104, %get3A_105] {strides = array<i32>} : memref<120x144xf32, #tpu.memory_space<vmem>>, vector<1x16xf32>,
        %get3A_107 = vector.shape_cast %get3A_106 : vector<1x16xf32> to vector<16xf32>
        %slice3A = vector.extract_strided_slice %select_n3A_99 {offsets = [0], sizes = [1], strides = [1]} : vector<16xf32> to vector<1xf32>
        %squeeze3A = vector.extract %slice3A[0] : f32 from vector<1xf32>
        %mul3A_108 = vector.broadcast %squeeze3A : f32 to vector<16xf32>
        %mul3A_109 = arith.mulf %get3A_107, %mul3A_108 : vector<16xf32>
        %swap3A_110 = arith.index_cast %scan3A_81 : i32 to index
        %swap3A_111 = arith.constant 0 : index
        %swap3A_112 = tpu.vector_load %arg11[%swap3A_110, %swap3A_111] {strides = array<i32>} : memref<120x144xf32, #tpu.memory_space<vmem>>, vector<1x16xf32>,
        %swap3A_113 = vector.shape_cast %swap3A_112 : vector<1x16xf32> to vector<16xf32>
        %swap3A_114 = vector.shape_cast %mul3A_109 : vector<16xf32> to vector<1x16xf32>
        tpu.vector_store %arg11[%swap3A_110, %swap3A_111], %swap3A_114 {strides = array<i32>} : memref<120x144xf32, #tpu.memory_space<vmem>>, vector<1x16xf32>,
        %get3A_115 = arith.index_cast %scan3A_81 : i32 to index
        %get3A_116 = arith.constant 16 : index
        %get3A_117 = tpu.vector_load %arg11[%get3A_115, %get3A_116] {strides = array<i32>} : memref<120x144xf32, #tpu.memory_space<vmem>>, vector<1x16xf32>,
        %get3A_118 = vector.shape_cast %get3A_117 : vector<1x16xf32> to vector<16xf32>
        %slice3A_119 = vector.extract_strided_slice %select_n3A_99 {offsets = [1], sizes = [1], strides = [1]} : vector<16xf32> to vector<1xf32>
        %squeeze3A_120 = vector.extract %slice3A_119[0] : f32 from vector<1xf32>
        %mul3A_121 = vector.broadcast %squeeze3A_120 : f32 to vector<16xf32>
        %mul3A_122 = arith.mulf %get3A_118, %mul3A_121 : vector<16xf32>
        %swap3A_123 = arith.index_cast %scan3A_81 : i32 to index
        %swap3A_124 = arith.constant 16 : index
        %swap3A_125 = tpu.vector_load %arg11[%swap3A_123, %swap3A_124] {strides = array<i32>} : memref<120x144xf32, #tpu.memory_space<vmem>>, vector<1x16xf32>,
        %swap3A_126 = vector.shape_cast %swap3A_125 : vector<1x16xf32> to vector<16xf32>
        %swap3A_127 = vector.shape_cast %mul3A_122 : vector<16xf32> to vector<1x16xf32>
        tpu.vector_store %arg11[%swap3A_123, %swap3A_124], %swap3A_127 {strides = array<i32>} : memref<120x144xf32, #tpu.memory_space<vmem>>, vector<1x16xf32>,
        %get3A_128 = arith.index_cast %scan3A_81 : i32 to index
        %get3A_129 = arith.constant 32 : index
        %get3A_130 = tpu.vector_load %arg11[%get3A_128, %get3A_129] {strides = array<i32>} : memref<120x144xf32, #tpu.memory_space<vmem>>, vector<1x16xf32>,
        %get3A_131 = vector.shape_cast %get3A_130 : vector<1x16xf32> to vector<16xf32>
        %slice3A_132 = vector.extract_strided_slice %select_n3A_99 {offsets = [2], sizes = [1], strides = [1]} : vector<16xf32> to vector<1xf32>
        %squeeze3A_133 = vector.extract %slice3A_132[0] : f32 from vector<1xf32>
        %mul3A_134 = vector.broadcast %squeeze3A_133 : f32 to vector<16xf32>
        %mul3A_135 = arith.mulf %get3A_131, %mul3A_134 : vector<16xf32>
        %swap3A_136 = arith.index_cast %scan3A_81 : i32 to index
        %swap3A_137 = arith.constant 32 : index
        %swap3A_138 = tpu.vector_load %arg11[%swap3A_136, %swap3A_137] {strides = array<i32>} : memref<120x144xf32, #tpu.memory_space<vmem>>, vector<1x16xf32>,
        %swap3A_139 = vector.shape_cast %swap3A_138 : vector<1x16xf32> to vector<16xf32>
        %swap3A_140 = vector.shape_cast %mul3A_135 : vector<16xf32> to vector<1x16xf32>
        tpu.vector_store %arg11[%swap3A_136, %swap3A_137], %swap3A_140 {strides = array<i32>} : memref<120x144xf32, #tpu.memory_space<vmem>>, vector<1x16xf32>,
        %get3A_141 = arith.index_cast %scan3A_81 : i32 to index
        %get3A_142 = arith.constant 48 : index
        %get3A_143 = tpu.vector_load %arg11[%get3A_141, %get3A_142] {strides = array<i32>} : memref<120x144xf32, #tpu.memory_space<vmem>>, vector<1x16xf32>,
        %get3A_144 = vector.shape_cast %get3A_143 : vector<1x16xf32> to vector<16xf32>
        %slice3A_145 = vector.extract_strided_slice %select_n3A_99 {offsets = [3], sizes = [1], strides = [1]} : vector<16xf32> to vector<1xf32>
        %squeeze3A_146 = vector.extract %slice3A_145[0] : f32 from vector<1xf32>
        %mul3A_147 = vector.broadcast %squeeze3A_146 : f32 to vector<16xf32>
        %mul3A_148 = arith.mulf %get3A_144, %mul3A_147 : vector<16xf32>
        %swap3A_149 = arith.index_cast %scan3A_81 : i32 to index
        %swap3A_150 = arith.constant 48 : index
        %swap3A_151 = tpu.vector_load %arg11[%swap3A_149, %swap3A_150] {strides = array<i32>} : memref<120x144xf32, #tpu.memory_space<vmem>>, vector<1x16xf32>,
        %swap3A_152 = vector.shape_cast %swap3A_151 : vector<1x16xf32> to vector<16xf32>
        %swap3A_153 = vector.shape_cast %mul3A_148 : vector<16xf32> to vector<1x16xf32>
        tpu.vector_store %arg11[%swap3A_149, %swap3A_150], %swap3A_153 {strides = array<i32>} : memref<120x144xf32, #tpu.memory_space<vmem>>, vector<1x16xf32>,
        %get3A_154 = arith.index_cast %scan3A_81 : i32 to index
        %get3A_155 = arith.constant 64 : index
        %get3A_156 = tpu.vector_load %arg11[%get3A_154, %get3A_155] {strides = array<i32>} : memref<120x144xf32, #tpu.memory_space<vmem>>, vector<1x16xf32>,
        %get3A_157 = vector.shape_cast %get3A_156 : vector<1x16xf32> to vector<16xf32>
        %slice3A_158 = vector.extract_strided_slice %select_n3A_99 {offsets = [4], sizes = [1], strides = [1]} : vector<16xf32> to vector<1xf32>
        %squeeze3A_159 = vector.extract %slice3A_158[0] : f32 from vector<1xf32>
        %mul3A_160 = vector.broadcast %squeeze3A_159 : f32 to vector<16xf32>
        %mul3A_161 = arith.mulf %get3A_157, %mul3A_160 : vector<16xf32>
        %swap3A_162 = arith.index_cast %scan3A_81 : i32 to index
        %swap3A_163 = arith.constant 64 : index
        %swap3A_164 = tpu.vector_load %arg11[%swap3A_162, %swap3A_163] {strides = array<i32>} : memref<120x144xf32, #tpu.memory_space<vmem>>, vector<1x16xf32>,
        %swap3A_165 = vector.shape_cast %swap3A_164 : vector<1x16xf32> to vector<16xf32>
        %swap3A_166 = vector.shape_cast %mul3A_161 : vector<16xf32> to vector<1x16xf32>
        tpu.vector_store %arg11[%swap3A_162, %swap3A_163], %swap3A_166 {strides = array<i32>} : memref<120x144xf32, #tpu.memory_space<vmem>>, vector<1x16xf32>,
        %get3A_167 = arith.index_cast %scan3A_81 : i32 to index
        %get3A_168 = arith.constant 80 : index
        %get3A_169 = tpu.vector_load %arg11[%get3A_167, %get3A_168] {strides = array<i32>} : memref<120x144xf32, #tpu.memory_space<vmem>>, vector<1x16xf32>,
        %get3A_170 = vector.shape_cast %get3A_169 : vector<1x16xf32> to vector<16xf32>
        %slice3A_171 = vector.extract_strided_slice %select_n3A_99 {offsets = [5], sizes = [1], strides = [1]} : vector<16xf32> to vector<1xf32>
        %squeeze3A_172 = vector.extract %slice3A_171[0] : f32 from vector<1xf32>
        %mul3A_173 = vector.broadcast %squeeze3A_172 : f32 to vector<16xf32>
        %mul3A_174 = arith.mulf %get3A_170, %mul3A_173 : vector<16xf32>
        %swap3A_175 = arith.index_cast %scan3A_81 : i32 to index
        %swap3A_176 = arith.constant 80 : index
        %swap3A_177 = tpu.vector_load %arg11[%swap3A_175, %swap3A_176] {strides = array<i32>} : memref<120x144xf32, #tpu.memory_space<vmem>>, vector<1x16xf32>,
        %swap3A_178 = vector.shape_cast %swap3A_177 : vector<1x16xf32> to vector<16xf32>
        %swap3A_179 = vector.shape_cast %mul3A_174 : vector<16xf32> to vector<1x16xf32>
        tpu.vector_store %arg11[%swap3A_175, %swap3A_176], %swap3A_179 {strides = array<i32>} : memref<120x144xf32, #tpu.memory_space<vmem>>, vector<1x16xf32>,
        %get3A_180 = arith.index_cast %scan3A_81 : i32 to index
        %get3A_181 = arith.constant 96 : index
        %get3A_182 = tpu.vector_load %arg11[%get3A_180, %get3A_181] {strides = array<i32>} : memref<120x144xf32, #tpu.memory_space<vmem>>, vector<1x16xf32>,
        %get3A_183 = vector.shape_cast %get3A_182 : vector<1x16xf32> to vector<16xf32>
        %slice3A_184 = vector.extract_strided_slice %select_n3A_99 {offsets = [6], sizes = [1], strides = [1]} : vector<16xf32> to vector<1xf32>
        %squeeze3A_185 = vector.extract %slice3A_184[0] : f32 from vector<1xf32>
        %mul3A_186 = vector.broadcast %squeeze3A_185 : f32 to vector<16xf32>
        %mul3A_187 = arith.mulf %get3A_183, %mul3A_186 : vector<16xf32>
        %swap3A_188 = arith.index_cast %scan3A_81 : i32 to index
        %swap3A_189 = arith.constant 96 : index
        %swap3A_190 = tpu.vector_load %arg11[%swap3A_188, %swap3A_189] {strides = array<i32>} : memref<120x144xf32, #tpu.memory_space<vmem>>, vector<1x16xf32>,
        %swap3A_191 = vector.shape_cast %swap3A_190 : vector<1x16xf32> to vector<16xf32>
        %swap3A_192 = vector.shape_cast %mul3A_187 : vector<16xf32> to vector<1x16xf32>
        tpu.vector_store %arg11[%swap3A_188, %swap3A_189], %swap3A_192 {strides = array<i32>} : memref<120x144xf32, #tpu.memory_space<vmem>>, vector<1x16xf32>,
        %get3A_193 = arith.index_cast %scan3A_81 : i32 to index
        %get3A_194 = arith.constant 112 : index
        %get3A_195 = tpu.vector_load %arg11[%get3A_193, %get3A_194] {strides = array<i32>} : memref<120x144xf32, #tpu.memory_space<vmem>>, vector<1x16xf32>,
        %get3A_196 = vector.shape_cast %get3A_195 : vector<1x16xf32> to vector<16xf32>
        %slice3A_197 = vector.extract_strided_slice %select_n3A_99 {offsets = [7], sizes = [1], strides = [1]} : vector<16xf32> to vector<1xf32>
        %squeeze3A_198 = vector.extract %slice3A_197[0] : f32 from vector<1xf32>
        %mul3A_199 = vector.broadcast %squeeze3A_198 : f32 to vector<16xf32>
        %mul3A_200 = arith.mulf %get3A_196, %mul3A_199 : vector<16xf32>
        %swap3A_201 = arith.index_cast %scan3A_81 : i32 to index
        %swap3A_202 = arith.constant 112 : index
        %swap3A_203 = tpu.vector_load %arg11[%swap3A_201, %swap3A_202] {strides = array<i32>} : memref<120x144xf32, #tpu.memory_space<vmem>>, vector<1x16xf32>,
        %swap3A_204 = vector.shape_cast %swap3A_203 : vector<1x16xf32> to vector<16xf32>
        %swap3A_205 = vector.shape_cast %mul3A_200 : vector<16xf32> to vector<1x16xf32>
        tpu.vector_store %arg11[%swap3A_201, %swap3A_202], %swap3A_205 {strides = array<i32>} : memref<120x144xf32, #tpu.memory_space<vmem>>, vector<1x16xf32>,
      }
      %scan3A_80 = arith.constant 120 : i32
      "tpu.region"() ({
        %run_scoped3A_81 = tpu.sem_alloc : memref<!tpu.dma_semaphore, #tpu.memory_space<semaphore_mem>>
        %dma_start3A_82 = arith.constant 0 : i32
        %dma_start3A_83 = arith.constant 0 : i32
        %dma_start3A_84 = tpu.memref_slice %arg14[%dma_start3A_82, %dma_start3A_83] : memref<10240x144xf32, #tpu.memory_space<vmem_shared>> -> memref<10240x144xf32, #tpu.memory_space<vmem_shared>>
        tpu.enqueue_indirect_dma source(%arg11 : memref<120x144xf32, #tpu.memory_space<vmem>>) target(%dma_start3A_84 : memref<10240x144xf32, #tpu.memory_space<vmem_shared>>) offsets(%arg9 : memref<120xi32, #tpu.memory_space<vmem>>) semaphore(%run_scoped3A_81 : memref<!tpu.dma_semaphore, #tpu.memory_space<semaphore_mem>>) {add = true}
        %dma_wait3A_85 = arith.constant 0 : i32
        %dma_wait3A_86 = arith.constant 0 : i32
        %dma_wait3A_87 = tpu.memref_slice %arg14[%dma_wait3A_85, %dma_wait3A_86] : memref<10240x144xf32, #tpu.memory_space<vmem_shared>> -> memref<10240x144xf32, #tpu.memory_space<vmem_shared>>
        tpu.wait_indirect_dma semaphore(%run_scoped3A_81 : memref<!tpu.dma_semaphore, #tpu.memory_space<semaphore_mem>>) src(%arg11 : memref<120x144xf32, #tpu.memory_space<vmem>>) dst(%dma_wait3A_87 : memref<10240x144xf32, #tpu.memory_space<vmem_shared>>)
        tpu.yield
      }) : () -> ()
    }
    %scan3A_38 = arith.constant 42 : i32
    %barrier3A_39 = arith.constant 0 : index
    tpu.barrier barrier_id(%barrier3A_39)
    "tpu.region"() ({
      %run_scoped3A_40 = tpu.sem_alloc : memref<!tpu.dma_semaphore, #tpu.memory_space<semaphore_mem>>
      %dma_start3A_41 = arith.constant 0 : i32
      %dma_start3A_42 = tpu.memref_slice %arg5[%arg0, %mul3A_10, %dma_start3A_41] : memref<2x10240x144xf32, #tpu.memory_space<hbm>> -> memref<1x640x144xf32, #tpu.memory_space<hbm>>
      %dma_start3A_43 = tpu.memref_squeeze %dma_start3A_42 : memref<1x640x144xf32, #tpu.memory_space<hbm>> -> memref<640x144xf32, #tpu.memory_space<hbm>>
      %dma_start3A_44 = arith.constant 0 : i32
      %dma_start3A_45 = tpu.memref_slice %arg14[%mul3A_10, %dma_start3A_44] : memref<10240x144xf32, #tpu.memory_space<vmem_shared>> -> memref<640x144xf32, #tpu.memory_space<vmem_shared>>
      tpu.enqueue_dma source(%dma_start3A_45 : memref<640x144xf32, #tpu.memory_space<vmem_shared>>) target(%dma_start3A_43 : memref<640x144xf32, #tpu.memory_space<hbm>>) target_semaphore(%run_scoped3A_40 : memref<!tpu.dma_semaphore, #tpu.memory_space<semaphore_mem>>)
      %dma_wait3A = arith.constant 0 : i32
      %dma_wait3A_46 = tpu.memref_slice %arg5[%arg0, %mul3A_10, %dma_wait3A] : memref<2x10240x144xf32, #tpu.memory_space<hbm>> -> memref<1x640x144xf32, #tpu.memory_space<hbm>>
      %dma_wait3A_47 = tpu.memref_squeeze %dma_wait3A_46 : memref<1x640x144xf32, #tpu.memory_space<hbm>> -> memref<640x144xf32, #tpu.memory_space<hbm>>
      %dma_wait3A_48 = arith.constant 0 : i32
      %dma_wait3A_49 = tpu.memref_slice %arg14[%mul3A_10, %dma_wait3A_48] : memref<10240x144xf32, #tpu.memory_space<vmem_shared>> -> memref<640x144xf32, #tpu.memory_space<vmem_shared>>
      tpu.wait_dma2 semaphore(%run_scoped3A_40 : memref<!tpu.dma_semaphore, #tpu.memory_space<semaphore_mem>>) src(%dma_wait3A_49 : memref<640x144xf32, #tpu.memory_space<vmem_shared>>) dst(%dma_wait3A_47 : memref<640x144xf32, #tpu.memory_space<hbm>>)
      tpu.yield
    }) : () -> ()
    return
  }
}

module attributes {stable_mosaic.version = 14 : i64} {
  func.func @_prep_body(%arg0: i32, %arg1: memref<1024x128xf32, #tpu.memory_space<vmem>>, %arg2: memref<128x128xf32, #tpu.memory_space<vmem>>, %arg3: memref<8x16xf32, #tpu.memory_space<vmem>>, %arg4: memref<8x16xf32, #tpu.memory_space<vmem>>, %arg5: memref<1024x144xf32, #tpu.memory_space<vmem>>, %arg6: memref<1024x16xf32, #tpu.memory_space<vmem>>) attributes {dimension_semantics = [#tpu.dimension_semantics<arbitrary>], iteration_bounds = array<i64: 10>, scalar_prefetch = 0 : i64, scratch_operands = 0 : i64, tpu.core_type = #tpu.core_type<tc>, window_params = [{transform_indices = @transform_0, window_bounds = array<i64: 1024, 128>}, {pipeline_mode = #tpu.pipeline_mode<synchronous>, transform_indices = @transform_1, window_bounds = array<i64: 128, 128>}, {pipeline_mode = #tpu.pipeline_mode<synchronous>, transform_indices = @transform_2, window_bounds = array<i64: 8, 16>}, {pipeline_mode = #tpu.pipeline_mode<synchronous>, transform_indices = @transform_3, window_bounds = array<i64: 8, 16>}, {transform_indices = @transform_4, window_bounds = array<i64: 1024, 144>}, {transform_indices = @transform_5, window_bounds = array<i64: 1024, 16>}]} {
    %get3A = arith.constant 0 : index
    %get3A_0 = arith.constant 0 : index
    %get3A_1 = vector.load %arg1[%get3A, %get3A_0] : memref<1024x128xf32, #tpu.memory_space<vmem>>, vector<1024x128xf32>
    %get3A_2 = arith.constant 0 : index
    %get3A_3 = arith.constant 0 : index
    %get3A_4 = vector.load %arg2[%get3A_2, %get3A_3] : memref<128x128xf32, #tpu.memory_space<vmem>>, vector<128x128xf32>
    %get3A_5 = arith.constant 0 : index
    %get3A_6 = arith.constant 0 : index
    %get3A_7 = vector.load %arg3[%get3A_5, %get3A_6] : memref<8x16xf32, #tpu.memory_space<vmem>>, vector<8x16xf32>
    %get3A_8 = arith.constant 0 : index
    %get3A_9 = arith.constant 0 : index
    %get3A_10 = vector.load %arg4[%get3A_8, %get3A_9] : memref<8x16xf32, #tpu.memory_space<vmem>>, vector<8x16xf32>
    %iota3A = tpu.iota {dimensions = array<i32: 0>} : vector<8x128xi32>
    %iota3A_11 = tpu.iota {dimensions = array<i32: 1>} : vector<8x128xi32>
    %jit3A = arith.constant 16 : i32
    %div3A = vector.broadcast %jit3A : i32 to vector<8x128xi32>
    %div3A_12 = arith.divsi %iota3A_11, %div3A : vector<8x128xi32>
    %sign3A = arith.constant 0 : i32
    %sign3A_13 = vector.broadcast %sign3A : i32 to vector<8x128xi32>
    %sign3A_14 = arith.cmpi sgt, %iota3A_11, %sign3A_13 : vector<8x128xi32>
    %sign3A_15 = arith.extui %sign3A_14 : vector<8x128xi1> to vector<8x128xi32>
    %sign3A_16 = arith.constant 0 : i32
    %sign3A_17 = vector.broadcast %sign3A_16 : i32 to vector<8x128xi32>
    %sign3A_18 = arith.cmpi slt, %iota3A_11, %sign3A_17 : vector<8x128xi32>
    %sign3A_19 = arith.extui %sign3A_18 : vector<8x128xi1> to vector<8x128xi32>
    %sign3A_20 = arith.subi %sign3A_15, %sign3A_19 : vector<8x128xi32>
    %sign3A_21 = arith.constant 0 : i32
    %sign3A_22 = arith.cmpi sgt, %jit3A, %sign3A_21 : i32
    %sign3A_23 = arith.extui %sign3A_22 : i1 to i32
    %sign3A_24 = arith.constant 0 : i32
    %sign3A_25 = arith.cmpi slt, %jit3A, %sign3A_24 : i32
    %sign3A_26 = arith.extui %sign3A_25 : i1 to i32
    %sign3A_27 = arith.subi %sign3A_23, %sign3A_26 : i32
    %ne3A = vector.broadcast %sign3A_27 : i32 to vector<8x128xi32>
    %ne3A_28 = arith.cmpi ne, %sign3A_20, %ne3A : vector<8x128xi32>
    %rem3A = vector.broadcast %jit3A : i32 to vector<8x128xi32>
    %rem3A_29 = arith.remsi %iota3A_11, %rem3A : vector<8x128xi32>
    %ne3A_30 = arith.constant 0 : i32
    %ne3A_31 = vector.broadcast %ne3A_30 : i32 to vector<8x128xi32>
    %ne3A_32 = arith.cmpi ne, %rem3A_29, %ne3A_31 : vector<8x128xi32>
    %and3A = arith.andi %ne3A_28, %ne3A_32 : vector<8x128xi1>
    %sub3A = arith.constant 1 : i32
    %sub3A_33 = vector.broadcast %sub3A : i32 to vector<8x128xi32>
    %sub3A_34 = arith.subi %div3A_12, %sub3A_33 : vector<8x128xi32>
    %select_n3A = arith.select %and3A, %sub3A_34, %div3A_12 : vector<8x128xi1>, vector<8x128xi32>
    %eq3A = arith.cmpi eq, %select_n3A, %iota3A : vector<8x128xi32>
    %concatenate3A = tpu.concatenate %get3A_7, %get3A_7, %get3A_7, %get3A_7, %get3A_7, %get3A_7, %get3A_7, %get3A_7 in 1 : vector<8x16xf32>, vector<8x16xf32>, vector<8x16xf32>, vector<8x16xf32>, vector<8x16xf32>, vector<8x16xf32>, vector<8x16xf32>, vector<8x16xf32> -> vector<8x128xf32>
    %jit3A_35 = arith.constant 0.000000e+00 : f32
    %broadcast_in_dim3A = vector.broadcast %jit3A_35 : f32 to vector<8x128xf32>
    %select_n3A_36 = arith.select %eq3A, %concatenate3A, %broadcast_in_dim3A : vector<8x128xi1>, vector<8x128xf32>
    %concatenate3A_37 = tpu.concatenate %get3A_10, %get3A_10, %get3A_10, %get3A_10, %get3A_10, %get3A_10, %get3A_10, %get3A_10 in 1 : vector<8x16xf32>, vector<8x16xf32>, vector<8x16xf32>, vector<8x16xf32>, vector<8x16xf32>, vector<8x16xf32>, vector<8x16xf32>, vector<8x16xf32> -> vector<8x128xf32>
    %jit3A_38 = arith.constant 0.000000e+00 : f32
    %broadcast_in_dim3A_39 = vector.broadcast %jit3A_38 : f32 to vector<8x128xf32>
    %select_n3A_40 = arith.select %eq3A, %concatenate3A_37, %broadcast_in_dim3A_39 : vector<8x128xi1>, vector<8x128xf32>
    %dot_general3A = arith.constant dense<0.000000e+00> : vector<1024x128xf32>
    %dot_general3A_41 = tpu.matmul %get3A_1, %get3A_4, %dot_general3A {dimension_numbers = #tpu.dot_dimension_numbers<[1], [0], [0], [1], [0, 0, 1, 1], [], []>, transpose_lhs_hint = false} : vector<1024x128xf32>, vector<128x128xf32>, vector<1024x128xf32> -> vector<1024x128xf32>
    %dot_general3A_42 = arith.constant dense<0.000000e+00> : vector<1024x8xf32>
    %dot_general3A_43 = tpu.matmul %dot_general3A_41, %select_n3A_36, %dot_general3A_42 {dimension_numbers = #tpu.dot_dimension_numbers<[1], [1], [0], [0], [0, 0, 1, 0], [], []>, transpose_lhs_hint = false} : vector<1024x128xf32>, vector<8x128xf32>, vector<1024x8xf32> -> vector<1024x8xf32>
    %dot_general3A_44 = arith.constant dense<0.000000e+00> : vector<1024x8xf32>
    %dot_general3A_45 = tpu.matmul %dot_general3A_41, %select_n3A_40, %dot_general3A_44 {dimension_numbers = #tpu.dot_dimension_numbers<[1], [1], [0], [0], [0, 0, 1, 0], [], []>, transpose_lhs_hint = false} : vector<1024x128xf32>, vector<8x128xf32>, vector<1024x8xf32> -> vector<1024x8xf32>
    %broadcast_in_dim3A_46 = arith.constant 0.000000e+00 : f32
    %broadcast_in_dim3A_47 = vector.broadcast %broadcast_in_dim3A_46 : f32 to vector<1024x8xf32>
    %concatenate3A_48 = tpu.concatenate %dot_general3A_41, %dot_general3A_43, %broadcast_in_dim3A_47 in 1 : vector<1024x128xf32>, vector<1024x8xf32>, vector<1024x8xf32> -> vector<1024x144xf32>
    %swap3A = arith.constant 0 : index
    %swap3A_49 = arith.constant 0 : index
    %swap3A_50 = vector.load %arg5[%swap3A, %swap3A_49] : memref<1024x144xf32, #tpu.memory_space<vmem>>, vector<1024x144xf32>
    tpu.vector_store %arg5[%swap3A, %swap3A_49], %concatenate3A_48 {strides = array<i32>} : memref<1024x144xf32, #tpu.memory_space<vmem>>, vector<1024x144xf32>,
    %concatenate3A_51 = tpu.concatenate %dot_general3A_45, %broadcast_in_dim3A_47 in 1 : vector<1024x8xf32>, vector<1024x8xf32> -> vector<1024x16xf32>
    %swap3A_52 = arith.constant 0 : index
    %swap3A_53 = arith.constant 0 : index
    %swap3A_54 = vector.load %arg6[%swap3A_52, %swap3A_53] : memref<1024x16xf32, #tpu.memory_space<vmem>>, vector<1024x16xf32>
    tpu.vector_store %arg6[%swap3A_52, %swap3A_53], %concatenate3A_51 {strides = array<i32>} : memref<1024x16xf32, #tpu.memory_space<vmem>>, vector<1024x16xf32>,
    return
  }
  func.func @transform_0(%arg0: i32) -> (i32, i32) {
    %c0_i32 = arith.constant 0 : i32
    %c0_i32_0 = arith.constant 0 : i32
    return %arg0, %c0_i32 : i32, i32
  }
  func.func @transform_1(%arg0: i32) -> (i32, i32) {
    %c0_i32 = arith.constant 0 : i32
    %c0_i32_0 = arith.constant 0 : i32
    %c0_i32_1 = arith.constant 0 : i32
    return %c0_i32, %c0_i32_0 : i32, i32
  }
  func.func @transform_2(%arg0: i32) -> (i32, i32) {
    %c0_i32 = arith.constant 0 : i32
    %c0_i32_0 = arith.constant 0 : i32
    %c0_i32_1 = arith.constant 0 : i32
    return %c0_i32, %c0_i32_0 : i32, i32
  }
  func.func @transform_3(%arg0: i32) -> (i32, i32) {
    %c0_i32 = arith.constant 0 : i32
    %c0_i32_0 = arith.constant 0 : i32
    %c0_i32_1 = arith.constant 0 : i32
    return %c0_i32, %c0_i32_0 : i32, i32
  }
  func.func @transform_4(%arg0: i32) -> (i32, i32) {
    %c0_i32 = arith.constant 0 : i32
    %c0_i32_0 = arith.constant 0 : i32
    return %arg0, %c0_i32 : i32, i32
  }
  func.func @transform_5(%arg0: i32) -> (i32, i32) {
    %c0_i32 = arith.constant 0 : i32
    %c0_i32_0 = arith.constant 0 : i32
    return %arg0, %c0_i32 : i32, i32
  }
}

module attributes {stable_mosaic.version = 14 : i64} {
  func.func @_final_body(%arg0: i32, %arg1: memref<2x1000x144xf32, #tpu.memory_space<vmem>>, %arg2: memref<128x1xf32, #tpu.memory_space<vmem>>, %arg3: memref<1x1xf32, #tpu.memory_space<vmem>>, %arg4: memref<1000x1xf32, #tpu.memory_space<vmem>>) attributes {dimension_semantics = [#tpu.dimension_semantics<arbitrary>], iteration_bounds = array<i64: 10>, scalar_prefetch = 0 : i64, scratch_operands = 0 : i64, tpu.core_type = #tpu.core_type<tc>, window_params = [{transform_indices = @transform_0, window_bounds = array<i64: 2, 1000, 144>}, {pipeline_mode = #tpu.pipeline_mode<synchronous>, transform_indices = @transform_1, window_bounds = array<i64: 128, 1>}, {pipeline_mode = #tpu.pipeline_mode<synchronous>, transform_indices = @transform_2, window_bounds = array<i64: 1, 1>}, {transform_indices = @transform_3, window_bounds = array<i64: 1000, 1>}]} {
    %get3A = arith.constant 0 : index
    %get3A_0 = arith.constant 0 : index
    %get3A_1 = arith.constant 0 : index
    %get3A_2 = vector.load %arg1[%get3A, %get3A_0, %get3A_1] : memref<2x1000x144xf32, #tpu.memory_space<vmem>>, vector<1x1000x144xf32>
    %get3A_3 = vector.shape_cast %get3A_2 : vector<1x1000x144xf32> to vector<1000x144xf32>
    %get3A_4 = arith.constant 1 : index
    %get3A_5 = arith.constant 0 : index
    %get3A_6 = arith.constant 0 : index
    %get3A_7 = vector.load %arg1[%get3A_4, %get3A_5, %get3A_6] : memref<2x1000x144xf32, #tpu.memory_space<vmem>>, vector<1x1000x144xf32>
    %get3A_8 = vector.shape_cast %get3A_7 : vector<1x1000x144xf32> to vector<1000x144xf32>
    %add3A = arith.addf %get3A_3, %get3A_8 : vector<1000x144xf32>
    %slice3A = vector.extract_strided_slice %add3A {offsets = [0, 0], sizes = [1000, 128], strides = [1, 1]} : vector<1000x144xf32> to vector<1000x128xf32>
    %slice3A_9 = vector.extract_strided_slice %add3A {offsets = [0, 128], sizes = [1000, 8], strides = [1, 1]} : vector<1000x144xf32> to vector<1000x8xf32>
    %iota3A = tpu.iota {dimensions = array<i32: 0>} : vector<8x128xi32>
    %iota3A_10 = tpu.iota {dimensions = array<i32: 1>} : vector<8x128xi32>
    %jit3A = arith.constant 16 : i32
    %div3A = vector.broadcast %jit3A : i32 to vector<8x128xi32>
    %div3A_11 = arith.divsi %iota3A_10, %div3A : vector<8x128xi32>
    %sign3A = arith.constant 0 : i32
    %sign3A_12 = vector.broadcast %sign3A : i32 to vector<8x128xi32>
    %sign3A_13 = arith.cmpi sgt, %iota3A_10, %sign3A_12 : vector<8x128xi32>
    %sign3A_14 = arith.extui %sign3A_13 : vector<8x128xi1> to vector<8x128xi32>
    %sign3A_15 = arith.constant 0 : i32
    %sign3A_16 = vector.broadcast %sign3A_15 : i32 to vector<8x128xi32>
    %sign3A_17 = arith.cmpi slt, %iota3A_10, %sign3A_16 : vector<8x128xi32>
    %sign3A_18 = arith.extui %sign3A_17 : vector<8x128xi1> to vector<8x128xi32>
    %sign3A_19 = arith.subi %sign3A_14, %sign3A_18 : vector<8x128xi32>
    %sign3A_20 = arith.constant 0 : i32
    %sign3A_21 = arith.cmpi sgt, %jit3A, %sign3A_20 : i32
    %sign3A_22 = arith.extui %sign3A_21 : i1 to i32
    %sign3A_23 = arith.constant 0 : i32
    %sign3A_24 = arith.cmpi slt, %jit3A, %sign3A_23 : i32
    %sign3A_25 = arith.extui %sign3A_24 : i1 to i32
    %sign3A_26 = arith.subi %sign3A_22, %sign3A_25 : i32
    %ne3A = vector.broadcast %sign3A_26 : i32 to vector<8x128xi32>
    %ne3A_27 = arith.cmpi ne, %sign3A_19, %ne3A : vector<8x128xi32>
    %rem3A = vector.broadcast %jit3A : i32 to vector<8x128xi32>
    %rem3A_28 = arith.remsi %iota3A_10, %rem3A : vector<8x128xi32>
    %ne3A_29 = arith.constant 0 : i32
    %ne3A_30 = vector.broadcast %ne3A_29 : i32 to vector<8x128xi32>
    %ne3A_31 = arith.cmpi ne, %rem3A_28, %ne3A_30 : vector<8x128xi32>
    %and3A = arith.andi %ne3A_27, %ne3A_31 : vector<8x128xi1>
    %sub3A = arith.constant 1 : i32
    %sub3A_32 = vector.broadcast %sub3A : i32 to vector<8x128xi32>
    %sub3A_33 = arith.subi %div3A_11, %sub3A_32 : vector<8x128xi32>
    %select_n3A = arith.select %and3A, %sub3A_33, %div3A_11 : vector<8x128xi1>, vector<8x128xi32>
    %eq3A = arith.cmpi eq, %select_n3A, %iota3A : vector<8x128xi32>
    %jit3A_34 = arith.constant 1.000000e+00 : f32
    %jit3A_35 = arith.constant 0.000000e+00 : f32
    %broadcast_in_dim3A = vector.broadcast %jit3A_34 : f32 to vector<8x128xf32>
    %broadcast_in_dim3A_36 = vector.broadcast %jit3A_35 : f32 to vector<8x128xf32>
    %select_n3A_37 = arith.select %eq3A, %broadcast_in_dim3A, %broadcast_in_dim3A_36 : vector<8x128xi1>, vector<8x128xf32>
    %dot_general3A = arith.constant dense<0.000000e+00> : vector<1000x128xf32>
    %dot_general3A_38 = tpu.matmul %slice3A_9, %select_n3A_37, %dot_general3A {dimension_numbers = #tpu.dot_dimension_numbers<[1], [0], [0], [1], [0, 0, 1, 1], [], []>, transpose_lhs_hint = false} : vector<1000x8xf32>, vector<8x128xf32>, vector<1000x128xf32> -> vector<1000x128xf32>
    %add3A_39 = arith.constant 9.99999971E-10 : f32
    %add3A_40 = vector.broadcast %add3A_39 : f32 to vector<1000x128xf32>
    %add3A_41 = arith.addf %dot_general3A_38, %add3A_40 : vector<1000x128xf32>
    %div3A_42 = arith.divf %slice3A, %add3A_41 : vector<1000x128xf32>
    %max3A = arith.constant 0.000000e+00 : f32
    %max3A_43 = vector.broadcast %max3A : f32 to vector<1000x128xf32>
    %max3A_44 = arith.maximumf %div3A_42, %max3A_43 : vector<1000x128xf32>
    %get3A_45 = arith.constant 0 : index
    %get3A_46 = arith.constant 0 : index
    %get3A_47 = vector.load %arg2[%get3A_45, %get3A_46] : memref<128x1xf32, #tpu.memory_space<vmem>>, vector<128x1xf32>
    %dot_general3A_48 = arith.constant dense<0.000000e+00> : vector<1000x1xf32>
    %dot_general3A_49 = tpu.matmul %max3A_44, %get3A_47, %dot_general3A_48 {dimension_numbers = #tpu.dot_dimension_numbers<[1], [0], [0], [1], [0, 0, 1, 1], [], []>, transpose_lhs_hint = false} : vector<1000x128xf32>, vector<128x1xf32>, vector<1000x1xf32> -> vector<1000x1xf32>
    %get3A_50 = arith.constant 0 : index
    %get3A_51 = arith.constant 0 : index
    %get3A_52 = vector.load %arg3[%get3A_50, %get3A_51] : memref<1x1xf32, #tpu.memory_space<vmem>>, vector<1x1xf32>
    %get3A_53 = vector.extract %get3A_52[0, 0] : f32 from vector<1x1xf32>
    %add3A_54 = vector.broadcast %get3A_53 : f32 to vector<1000x1xf32>
    %add3A_55 = arith.addf %dot_general3A_49, %add3A_54 : vector<1000x1xf32>
    %neg3A = arith.constant 0.000000e+00 : f32
    %neg3A_56 = vector.broadcast %neg3A : f32 to vector<1000x1xf32>
    %neg3A_57 = arith.subf %neg3A_56, %add3A_55 : vector<1000x1xf32>
    %exp3A = math.exp %neg3A_57 : vector<1000x1xf32>
    %add3A_58 = arith.constant 1.000000e+00 : f32
    %add3A_59 = vector.broadcast %add3A_58 : f32 to vector<1000x1xf32>
    %add3A_60 = arith.addf %add3A_59, %exp3A : vector<1000x1xf32>
    %div3A_61 = arith.constant 1.000000e+00 : f32
    %div3A_62 = vector.broadcast %div3A_61 : f32 to vector<1000x1xf32>
    %div3A_63 = arith.divf %div3A_62, %add3A_60 : vector<1000x1xf32>
    %swap3A = arith.constant 0 : index
    %swap3A_64 = arith.constant 0 : index
    %swap3A_65 = vector.load %arg4[%swap3A, %swap3A_64] : memref<1000x1xf32, #tpu.memory_space<vmem>>, vector<1000x1xf32>
    tpu.vector_store %arg4[%swap3A, %swap3A_64], %div3A_63 {strides = array<i32>} : memref<1000x1xf32, #tpu.memory_space<vmem>>, vector<1000x1xf32>,
    return
  }
  func.func @transform_0(%arg0: i32) -> (i32, i32, i32) {
    %c0_i32 = arith.constant 0 : i32
    %c0_i32_0 = arith.constant 0 : i32
    %c0_i32_1 = arith.constant 0 : i32
    return %c0_i32, %arg0, %c0_i32_0 : i32, i32, i32
  }
  func.func @transform_1(%arg0: i32) -> (i32, i32) {
    %c0_i32 = arith.constant 0 : i32
    %c0_i32_0 = arith.constant 0 : i32
    %c0_i32_1 = arith.constant 0 : i32
    return %c0_i32, %c0_i32_0 : i32, i32
  }
  func.func @transform_2(%arg0: i32) -> (i32, i32) {
    %c0_i32 = arith.constant 0 : i32
    %c0_i32_0 = arith.constant 0 : i32
    %c0_i32_1 = arith.constant 0 : i32
    return %c0_i32, %c0_i32_0 : i32, i32
  }
  func.func @transform_3(%arg0: i32) -> (i32, i32) {
    %c0_i32 = arith.constant 0 : i32
    %c0_i32_0 = arith.constant 0 : i32
    return %arg0, %c0_i32 : i32, i32
  }
}

</mosaic_0001>

<sc_bundles>
// kernel: kernel.5.cloned.1.call-start
scs
__scs_entry_jumppad:
0x0: {  	(pc) =	sbr.rel $0x88, $3  }
0x1: {  	(tag) =	ssettag $0x0;
	lr =	simm.s32 $0x1  }
0x2: {  	[smem:$0x3F9A] =	sst lr;
	_ =	strace $0xD0000000  }
0x3: {  	_ = 	snop  }
0x4: {  	_ = 	snop  }
0x5: {  	_ = 	snop  }
0x6: {  	_ = 	snop  }
0x7: {  	_ = 	snop  }
__scs_overlays_trampoline_lowered:
0x8: {  	[smem:$0x3FA9] =	sst s0  }
0x9: {  	[smem:$0x3FAA] =	sst s1  }
0xa: {  	[smem:$0x3FAB] =	sst s2  }
0xb: {  	[smem:$0x3FAC] =	sst s3  }
0xc: {  	[smem:$0x3FAD] =	sst s4  }
0xd: {  	[smem:$0x3FAE] =	sst s5  }
0xe: {  	[smem:$0x3FAF] =	sst s6  }
0xf: {  	[smem:$0x3FB0] =	sst s7  }
0x10: {  	[smem:$0x3FB1] =	sst s8  }
0x11: {  	[smem:$0x3FB2] =	sst s9;
	s0 =	simm.s32 @!p0 $0x0  }
0x12: {  	s1 =	sld [smem:$0x3F98];
	s0 =	simm.s32 @p0 $0x1  }
0x13: {  	[smem:$0x3FB3] =	sst s0;
	s0 =	simm.s32 @!p1 $0x0  }
0x14: {  	s2 =	sld [smem:$0x3F97];
	s0 =	simm.s32 @p1 $0x1  }
0x15: {  	[smem:$0x3FB4] =	sst s0;
	s0 =	simm.s32 @!p2 $0x0  }
0x16: {  	s3 =	sld [smem:$0x3FDB];
	s0 =	simm.s32 @p2 $0x1  }
0x17: {  	s4 =	simm.s32 $0x1BF5;
	[smem:$0x3FB6] =	sst s0  }
0x18: {  	s0 =	sld [smem:$0x3F99];
	_ =	swait.ge [sflag:s4], $0x0  }
0x19: {  	s7 =	sld [smem:$0x3F9A]  }
0x1a: {  	s8 =	sadd.s32 $0xFFFFE003, lr  }
0x1b: {  	s9 =	sadd.s32 $0xFFFFFEF7, lr;
	s5 =	simm.s32 $0xFFFFFFFF;
	p2 =	slt.u32 s8, $0xFFFFF086  }
0x1c: {  	p1 =	slt.u32 s9, $0xF7A;
	s5 =	simm.s32 @!p2 $0x0  }
0x1d: {  	s5 =	simm.s32 @p1 $0x1;
	p0 =	seq.s32 s7, s2  }
0x1e: {  	s7 =	smul.u32 @!p0 $0xF7A, s2;
	p2 =	seq.s32 @!p0 s5, $0x0  }
0x1f: {  	s9 =	smul.u32 $0xF7A, s1;
	s8 =	simm.s32 @!p0 $0x1BF5;
	p2 =	por !p2, p0  }
0x20: {  	[sflag:s8] =	ssyncset.s32 @!p0 $0xFFFFF086;
	s6 =	sadd.s32 @!p0 s3, s7;
	s7 =	simm.s32 @!p0 $0x108  }
0x21: {  	s3 =	sadd.s32 s3, s9;
	s6 =	sadd.s32 @!p0 $0x88, s6;
	s7 =	simm.s32 @p2 $0x1082  }
0x22: {  	[simem:s7], [sflag:s8] =	dma.local @!p0 [hbm:s6], $0xF7A  }
0x23: {  	s9 =	sor.u32 $0xD0000000, s2;
	s6 =	simm.s32 $0x108;
	_ =	swait.ge @!p0 [sflag:s8], $0x0  }
0x24: {  	s3 =	sadd.s32 $0x88, s3;
	s6 =	simm.s32 @!p1 $0x1082;
	[sflag:s4] =	ssyncset.s32 $0xFFFFF086  }
0x25: {  	[simem:s6], [sflag:s4] =	dma.local [hbm:s3], $0xF7A  }
0x26: {  	[smem:$0x3F9A] =	sst s1;
	(tag) =	ssettag s2;
	_ =	strace s9  }
0x27: {  	s1 =	sld [smem:$0x3FAA]  }
0x28: {  	s2 =	sld [smem:$0x3FAB]  }
0x29: {  	s4 =	sld [smem:$0x3FAD]  }
0x2a: {  	p0 =	seq.s32 s5, $0x0;
	s5 =	sld [smem:$0x3FAE]  }
0x2b: {  	s6 =	sld [smem:$0x3FAF]  }
0x2c: {  	s7 =	sld [smem:$0x3FB0]  }
0x2d: {  	s3 =	simm.s32 $0x108;
	s8 =	sld [smem:$0x3FB1]  }
0x2e: {  	s3 =	simm.s32 @!p0 $0x1082;
	s9 =	sld [smem:$0x3FB2]  }
0x2f: {  	lr =	sadd.s32 s0, s3;
	s0 =	sld [smem:$0x3FA9]  }
0x30: {  	s3 =	sld [smem:$0x3FAC]  }
0x31: {  	[smem:$0x3FB5] =	sst s10  }
0x32: {  	s10 =	sld [smem:$0x3FB3];
	_ =	sdelay $0x3  }
0x33: {  	p0 =	seq.s32 s10, $0x1;
	s10 =	sld [smem:$0x3FB5];
	_ =	sdelay $0x3  }
0x34: {  	[smem:$0x3FB5] =	sst s10  }
0x35: {  	s10 =	sld [smem:$0x3FB4];
	_ =	sdelay $0x3  }
0x36: {  	p1 =	seq.s32 s10, $0x1;
	s10 =	sld [smem:$0x3FB5];
	_ =	sdelay $0x3  }
0x37: {  	[smem:$0x3FB5] =	sst s10  }
0x38: {  	s10 =	sld [smem:$0x3FB6]  }
0x39: {  	_ = 	snop;
	(pc) =	sbr.ind lr, $3  }
0x3a: {  	_ = 	snop  }
0x3b: {  	_ = 	snop  }
0x3c: {  	p2 =	seq.s32 s10, $0x1;
	s10 =	sld [smem:$0x3FB5]  }
0x3d: {  	_ =	shalt  }
0x3e: {  	_ =	shalt  }
0x3f: {  	_ =	shalt  }
0x40: {  	_ =	shalt  }
0x41: {  	_ =	shalt  }
0x42: {  	_ =	shalt  }
0x43: {  	_ =	shalt  }
0x44: {  	_ =	shalt  }
0x45: {  	_ =	shalt  }
0x46: {  	_ =	shalt  }
0x47: {  	_ =	shalt  }
0x48: {  	_ =	shalt  }
0x49: {  	_ =	shalt  }
0x4a: {  	_ =	shalt  }
0x4b: {  	_ =	shalt  }
0x4c: {  	_ =	shalt  }
0x4d: {  	_ =	shalt  }
0x4e: {  	_ =	shalt  }
0x4f: {  	_ =	shalt  }
0x50: {  	_ =	shalt  }
0x51: {  	_ =	shalt  }
0x52: {  	_ =	shalt  }
0x53: {  	_ =	shalt  }
0x54: {  	_ =	shalt  }
0x55: {  	_ =	shalt  }
0x56: {  	_ =	shalt  }
0x57: {  	_ =	shalt  }
0x58: {  	_ =	shalt  }
0x59: {  	_ =	shalt  }
0x5a: {  	_ =	shalt  }
0x5b: {  	_ =	shalt  }
0x5c: {  	_ =	shalt  }
0x5d: {  	_ =	shalt  }
0x5e: {  	_ =	shalt  }
0x5f: {  	_ =	shalt  }
0x60: {  	_ =	shalt  }
0x61: {  	_ =	shalt  }
0x62: {  	_ =	shalt  }
0x63: {  	_ =	shalt  }
0x64: {  	_ =	shalt  }
0x65: {  	_ =	shalt  }
0x66: {  	_ =	shalt  }
0x67: {  	_ =	shalt  }
0x68: {  	_ =	shalt  }
0x69: {  	_ =	shalt  }
0x6a: {  	_ =	shalt  }
0x6b: {  	_ =	shalt  }
0x6c: {  	_ =	shalt  }
0x6d: {  	_ =	shalt  }
0x6e: {  	_ =	shalt  }
0x6f: {  	_ =	shalt  }
0x70: {  	_ =	shalt  }
0x71: {  	_ =	shalt  }
0x72: {  	_ =	shalt  }
0x73: {  	_ =	shalt  }
0x74: {  	_ =	shalt  }
0x75: {  	_ =	shalt  }
0x76: {  	_ =	shalt  }
0x77: {  	_ =	shalt  }
0x78: {  	_ =	shalt  }
0x79: {  	_ =	shalt  }
0x7a: {  	_ =	shalt  }
0x7b: {  	_ =	shalt  }
0x7c: {  	_ =	shalt  }
0x7d: {  	_ =	shalt  }
0x7e: {  	_ =	shalt  }
0x7f: {  	_ =	shalt  }
0x80: {  	_ =	shalt  }
0x81: {  	_ =	shalt  }
0x82: {  	_ =	shalt  }
0x83: {  	_ =	shalt  }
0x84: {  	_ =	shalt  }
0x85: {  	_ =	shalt  }
0x86: {  	_ =	shalt  }
0x87: {  	_ =	shalt  }
.Lfunc_end0:
.L_simem_size_0:
called_computation_lowered:
.L_overlay_start_0:
0x88: {  	s2 =	sld [smem:$0x3FD9]  }
0x89: {  	s3 =	sld [smem:$0x3FFE];
	_ =	sdelay $0x1  }
0x8a: {  	s1 =	srdreg.scid  }
0x8b: {  	s0 =	sand.u32 $0x1, s1  }
0x8c: {  	s16 =	sshll.u32 s0, $0xA;
	s2 =	sadd.s32 s3, s2  }
0x8d: {  	s2 =	sadd.s32 s2, s16  }
0x8e: {  	[smem:$0x3FC1] =	sst s2  }
0x8f: {  	_ = 	snop  }
0x90: {  	(tm) =	ssettm $0x1  }
0x91: {  	s17 =	sld [smem:$0x3FFB];
	_ =	sdelay $0x3  }
0x92: {  	_ =	strace s17  }
0x93: {  	s2 =	sld [smem:$0x3FFC];
	_ =	sdelay $0x3  }
0x94: {  	_ =	strace s2  }
0x95: {  	s2 =	sld [smem:$0x3FFD];
	_ =	sdelay $0x3  }
0x96: {  	_ =	strace s2  }
0x97: {  	_ =	strace $0x8FFFFFFF  }
0x98: {  	s18 =	sld [smem:$0x3FDB];
	_ =	sdelay $0x1  }
0x99: {  	s19 =	simm.s32 $_scs_section_size  }
0x9a: {  	s4 =	simm.s32 $_size__tile_overlayer_lowered;
	s5 =	simm.s32 $_tile_overlayer_lowered  }
0x9b: {  	s22 =	simm.s32 $0x1BFF;
	s21 =	sshll.u32 s5, $0x1;
	s2 =	sadd.s32 s19, s18  }
0x9c: {  	s6 =	simm.s32 $0x0;
	s20 =	sshll.u32 s4, $0x1;
	s4 =	sadd.s32 s21, s2  }
0x9d: {  	[timem:s6], [sflag:s22] =	dma.local [hbm:s4], s20  }
0x9e: {  	_ =	swait.ge [sflag:s22], s20  }
0x9f: {  	s3 =	ssub.s32 $0x0, s20;
	[sflag:s22] =	ssyncset.done $0x0  }
0xa0: {  	[sflag:s22] =	ssyncadd.s32 s3;
	_ =	sdelay $0x1  }
0xa1: {  	s23 =	simm.s32 $0x1B8B  }
0xa2: {  	_ =	swait.ge [sflag:s23], $0x1  }
0xa3: {  	[sflag:s23] =	ssyncset.done $0x0  }
0xa4: {  	s25 =	simm.s32 $0x1B8E;
	s24 =	sld [smem:$0x3FFE];
	[sflag:s23] =	ssyncadd.s32 $0xFFFFFFFF  }
0xa5: {  	s26 =	simm.s32 $execute0_lowered;
	[smem:$0x3FD2] =	sst s25  }
0xa6: {  	s4 =	sshll.u32 s26, $0x1;
	_ =	strace $0x80000046;
	[dreg:$0x1] =	wrdreg $0xFFFFFFFF  }
0xa7: {  	s28 =	simm.s32 $_size_execute0_lowered;
	s2 =	sadd.s32 s2, s4;
	[dreg:$0x0] =	wrdreg $0x0  }
0xa8: {  	s4 =	sshll.u32 s28, $0x1;
	[dreg:$0x2] =	wrdreg s2  }
0xa9: {  	[dreg:$0x3] =	wrdreg s4  }
0xaa: {  	[dreg:$0x4] =	wrdreg $0xC0  }
0xab: {  	_ =	task [dreg:s6], $0x5FFFF  }
0xac: {  	[dreg:$0x1] =	wrdreg $0xFFFFFFFF  }
0xad: {  	[dreg:$0x0] =	wrdreg $0x60  }
0xae: {  	[dreg:$0x2] =	wrdreg s24  }
0xaf: {  	[dreg:$0x3] =	wrdreg $0x97E00  }
0xb0: {  	[dreg:$0x4] =	wrdreg $0x9  }
0xb1: {  	_ =	task.clear_ibuf [dreg:s6], $0x5FFFF;
	_ =	strace $0x90000046  }
0xb2: {  	s29 =	simm.s32 $0x9;
	_ =	strace $0x80000048  }
0xb3: {  	_ =	swait.ge [sflag:s29], $0x1  }
0xb4: {  	[sflag:s29] =	ssyncadd.s32 $0xFFFFFFFF  }
0xb5: {  	_ =	strace $0x90000048  }
0xb6: {  	_ =	sfence  }
0xb7: {  	s30 =	sld [smem:$0x0];
	_ =	sdelay $0x2  }
0xb8: {  	s31 =	sshll.u32 s1, $0xD;
	s1 =	sshrl.u32 s1, $0x2  }
0xb9: {  	s3 =	sand.u32 $0x4000, s31;
	s1 =	sadd.s32 s1, s30  }
0xba: {  	s0 =	sor.u32 s3, s0;
	s1 =	sshll.u32 s1, $0x11  }
0xbb: {  	s0 =	sor.u32 s1, s0  }
0xbc: {  	s0 =	sadd.s32 $0x8F2B, s0  }
0xbd: {  	[sflag:s0] =	ssyncadd.remote.s32 $0x1  }
0xbe: {  	_ =	sfence.sel $0xFFFF  }
0xbf: {  	[dreg:$0x0] =	wrdreg $0xFFFFFFFF;
	(pc) =	sbr.abs _section_cstart, $3  }
0xc0: {  	[dreg:$0x1] =	wrdreg $0xFFFFFFFF  }
0xc1: {  	_ =	task.clear_ibuf [dreg:s6], $0x2FFFF;
	_ =	strace $0x9FFFFFFF  }
0xc2: {  	(tm) =	ssettm $0x7FFFFFFF  }
0xc3: {  	_ =	shalt  }
tec
execute0_lowered:
.L_overlay_start_1:
0x0: {  	(tag) =	ssettag $0x1  }
0x1: {  	s0 =	rddreg [dreg:$0x0]  }
0x2: {  	s1 =	srdreg.scid;
	s11 =	stileid.u32  }
0x3: {  	s2 =	rddreg [dreg:$0x1];
	s3 =	simm.s32 $0x0;
	s19 =	simm.s32 $0x1E0  }
0x4: {  	s28 =	simm.s32 $0x1;
	s29 =	simm.s32 $0x2;
	s30 =	simm.s32 $0x3  }
0x5: {  	s31 =	simm.s32 $0x4;
	s1 =	sand.u32 $0x1, s1;
	s7 =	smul.u32 $0x16800, s11  }
0x6: {  	[smem:$0x7FF] =	sst s3;
	s4 =	sadd.s32 $0x1000, s0;
	s10 =	smul.u32 $0x5A000, s11  }
0x7: {  	s6 =	sadd.s32 $0x33000, s0;
	s5 =	smul.u32 $0x168000, s1;
	s9 =	ssub.s32 $0x2, s1  }
0x8: {  	_ =	strace $0x80000047;
	s1 =	sshll.u32 s1, $0x4;
	s20 =	sshrl.u32 s9, $0x1  }
0x9: {  	s1 =	sor.u32 s11, s1;
	s21 =	sshrl.u32 s10, $0x2;
	s8 =	sadd.s32 s7, s5  }
0xa: {  	s5 =	sadd.s32 $0x2E000, s0;
	s22 =	smul.u32 $0x2760, s1;
	s8 =	sshrl.u32 s8, $0x3  }
0xb: {  	s1 =	smul.u32 $0x54, s1;
	s7 =	sadd.s32 s7, s2;
	s0 =	sadd.s32 s8, s0  }
0xc: {  	s8 =	ssub.s32 s9, s20;
	s9 =	sadd.s32 s21, s2;
	s10 =	sshrl.u32 s22, $0x3  }
0xd: {  	s15 =	sor.u32 $0x1, s1;
	s16 =	sor.u32 $0x2, s1;
	s20 =	simm.s32 $0x5  }
0xe: {  	s21 =	simm.s32 $0x78;
	s23 =	sadd.s32 $0x4380, s9;
	s24 =	sadd.s32 $0x8700, s9  }
0xf: {  	s25 =	sadd.s32 $0xCA80, s9;
	s26 =	sadd.s32 $0x10E00, s9;
	[dreg:$0x3] =	wrdreg s23  }
0x10: {  	s12 =	sadd.s32 s6, s10;
	s13 =	sadd.s32 $0x15180, s9;
	[dreg:$0x4] =	wrdreg s24  }
0x11: {  	s17 =	sadd.s32 $0x46C00, s0;
	s18 =	smax.u32 s8, $0x1;
	[dreg:$0x5] =	wrdreg s25  }
0x12: {  	[dreg:$0x6] =	wrdreg s26;
	s14 =	sadd.s32 $0x9D80, s12;
	s23 =	simm.s32 $0xF0  }
0x13: {  	v0 =	vimm.f32 $0.0e+00;
	vm0 =	vmmov $0xff;
	s24 =	simm.s32 $0x168;
	s25 =	simm.s32 $0x4560;
	s26 =	simm.s32 $0x9060  }
.LBB2_1:
0x14: {  	s0 =	simm.s32 $0x0;
	s1 =	simm.s32 $0x240  }
.LBB2_2:
0x15: {  	p0 =	sne.s32 s1, $0x10BC0;
	[tilespmem:s0+$0x260] =	vst v0  }
0x16: {  	[tilespmem:s0+$0x1E0] =	vst v0  }
0x17: {  	[tilespmem:s0+$0x1F0] =	vst v0  }
0x18: {  	[tilespmem:s0+$0x200] =	vst v0  }
.Ltmp0:
0x19: {  	[tilespmem:s0+$0x210] =	vst v0;
	(pc) =	sbr.rel @p0 .LBB2_2-.Ltmp0, $4  }
0x1a: {  	[tilespmem:s0+$0x220] =	vst v0  }
0x1b: {  	[tilespmem:s0+$0x230] =	vst v0  }
0x1c: {  	[tilespmem:s0+$0x240] =	vst v0  }
0x1d: {  	[tilespmem:s0+$0x250] =	vst v0;
	s0 =	sshra.s32 s1, $0x2;
	s1 =	sadd.s32 $0x240, s1  }
0x1e: {  	[tilespmem:s0+$0x260] =	vst v0  }
0x1f: {  	[tilespmem:s0+$0x1E0] =	vst v0  }
0x20: {  	[tilespmem:s0+$0x1F0] =	vst v0  }
0x21: {  	[tilespmem:s0+$0x200] =	vst v0  }
0x22: {  	[tilespmem:s0+$0x210] =	vst v0  }
0x23: {  	[tilespmem:s0+$0x220] =	vst v0  }
0x24: {  	[tilespmem:s0+$0x230] =	vst v0  }
0x25: {  	[tilespmem:s0+$0x240] =	vst v0  }
0x26: {  	[tilespmem:s0+$0x250] =	vst v0  }
0x27: {  	[spmem:s7] =	stream.linear.scatter [tilespmem:s19], [sflag:$0x5], $0x4380, $0x38;
	v63 =	vld [tilespmem:$0x0]  }
0x28: {  	_ =	swait.ge [sflag:s20], $0x4380  }
0x29: {  	[sflag:s20] =	ssyncset.done $0x0  }
0x2a: {  	s8 =	rddreg [dreg:$0x3];
	[sflag:s20] =	ssyncadd.s32 $0xFFFFBC80  }
0x2b: {  	[spmem:s8] =	stream.linear.scatter [tilespmem:s19], [sflag:$0x5], $0x4380, $0x38;
	v63 =	vld [tilespmem:$0x0]  }
0x2c: {  	_ =	swait.ge [sflag:s20], $0x4380  }
0x2d: {  	[sflag:s20] =	ssyncset.done $0x0  }
0x2e: {  	s9 =	rddreg [dreg:$0x4];
	[sflag:s20] =	ssyncadd.s32 $0xFFFFBC80  }
0x2f: {  	[spmem:s9] =	stream.linear.scatter [tilespmem:s19], [sflag:$0x5], $0x4380, $0x38;
	v63 =	vld [tilespmem:$0x0]  }
0x30: {  	_ =	swait.ge [sflag:s20], $0x4380  }
0x31: {  	[sflag:s20] =	ssyncset.done $0x0  }
0x32: {  	s10 =	rddreg [dreg:$0x5];
	[sflag:s20] =	ssyncadd.s32 $0xFFFFBC80  }
0x33: {  	[spmem:s10] =	stream.linear.scatter [tilespmem:s19], [sflag:$0x5], $0x4380, $0x38;
	v63 =	vld [tilespmem:$0x0]  }
0x34: {  	_ =	swait.ge [sflag:s20], $0x4380  }
0x35: {  	[sflag:s20] =	ssyncset.done $0x0  }
0x36: {  	s11 =	rddreg [dreg:$0x6];
	[sflag:s20] =	ssyncadd.s32 $0xFFFFBC80  }
0x37: {  	[spmem:s11] =	stream.linear.scatter [tilespmem:s19], [sflag:$0x5], $0x4380, $0x38;
	v63 =	vld [tilespmem:$0x0]  }
0x38: {  	_ =	swait.ge [sflag:s20], $0x4380  }
0x39: {  	[sflag:s20] =	ssyncset.done $0x0  }
0x3a: {  	[sflag:s20] =	ssyncadd.s32 $0xFFFFBC80  }
0x3b: {  	[spmem:s13] =	stream.linear.scatter [tilespmem:s19], [sflag:$0x5], $0x1680, $0x38;
	v63 =	vld [tilespmem:$0x0]  }
0x3c: {  	_ =	swait.ge [sflag:s20], $0x1680  }
0x3d: {  	[sflag:s20] =	ssyncset.done $0x0  }
0x3e: {  	[sflag:s20] =	ssyncadd.s32 $0xFFFFE980  }
0x3f: {  	s1 =	simm.s32 $0x0;
	[bflag:$0x0] =	sbarrier.arrive $0xFFFF  }
0x40: {  	[tilespmem:s1], [sflag:$0x5] =	stream.linear.gather [hbm4b:s12+s1], $0x78, $0x38;
	v63 =	vld [tilespmem:$0x0]  }
0x41: {  	_ =	swait.ge [sflag:s20], $0x78  }
0x42: {  	[sflag:s20] =	ssyncset.done $0x0  }
0x43: {  	[sflag:s20] =	ssyncadd.s32 $0xFFFFFF88  }
0x44: {  	[tilespmem:s21], [sflag:$0x5] =	stream.linear.gather [hbm4b:s14+s1], $0x78, $0x38;
	v63 =	vld [tilespmem:$0x0]  }
0x45: {  	_ =	swait.ge [sflag:s20], $0x78  }
0x46: {  	[sflag:s20] =	ssyncset.done $0x0  }
0x47: {  	[sflag:s20] =	ssyncadd.s32 $0xFFFFFF88  }
0x48: {  	[tilespmem:s19], [sflag:$0x1] =	stream.indirect.gather [hbm4b:s4+s21], $0x90, s1, s21, $0xb8;
	v63 =	vld [tilespmem:$0x0]  }
0x49: {  	s22 =	simm.s32 $0x88E0  }
0x4a: {  	[tilespmem:s22], [sflag:$0x2] =	stream.indirect.gather [hbm4b:s5+s21], $0x10, s21, s21, $0xb8;
	v63 =	vld [tilespmem:$0x0]  }
0x4b: {  	s22 =	simm.s32 $0x0  }
.LBB2_4:
0x4c: {  	s0 =	sshll.u32 s22, $0x1  }
0x4d: {  	s8 =	sadd.s32 s0, s15  }
0x4e: {  	s8 =	smul.u32 $0x78, s8;
	_ =	sdelay $0x1  }
0x4f: {  	s8 =	sshrl.u32 s8, $0x3  }
0x50: {  	s8 =	sadd.s32 s6, s8  }
0x51: {  	[tilespmem:s23], [sflag:$0x5] =	stream.linear.gather [hbm4b:s8+s1], $0x78, $0x38;
	v63 =	vld [tilespmem:$0x0]  }
0x52: {  	_ =	swait.ge [sflag:s20], $0x78  }
0x53: {  	[sflag:s20] =	ssyncset.done $0x0  }
0x54: {  	s8 =	sadd.s32 $0x9D80, s8;
	[sflag:s20] =	ssyncadd.s32 $0xFFFFFF88  }
0x55: {  	[tilespmem:s24], [sflag:$0x5] =	stream.linear.gather [hbm4b:s8+s1], $0x78, $0x38;
	v63 =	vld [tilespmem:$0x0]  }
0x56: {  	_ =	swait.ge [sflag:s20], $0x78  }
0x57: {  	[sflag:s20] =	ssyncset.done $0x0  }
0x58: {  	[sflag:s20] =	ssyncadd.s32 $0xFFFFFF88  }
0x59: {  	[tilespmem:s25], [sflag:$0x3] =	stream.indirect.gather [hbm4b:s4+s21], $0x90, s23, s21, $0xb8;
	v63 =	vld [tilespmem:$0x0]  }
0x5a: {  	_ = 	snop  }
0x5b: {  	[tilespmem:s26], [sflag:$0x4] =	stream.indirect.gather [hbm4b:s5+s21], $0x10, s24, s21, $0xb8;
	v63 =	vld [tilespmem:$0x0]  }
0x5c: {  	_ =	swait.ge [sflag:s28], $0x4380  }
0x5d: {  	[sflag:s28] =	ssyncset.done $0x0  }
0x5e: {  	[sflag:s28] =	ssyncadd.s32 $0xFFFFBC80  }
0x5f: {  	_ =	swait.ge [sflag:s29], $0x780  }
0x60: {  	[sflag:s29] =	ssyncset.done $0x0  }
0x61: {  	s8 =	simm.s32 $0x220;
	[sflag:s29] =	ssyncadd.s32 $0xFFFFF880  }
0x62: {  	s11 =	simm.s32 $0x0;
	s10 =	simm.s32 $0x40;
	s9 =	simm.s32 $0x220;
	v1 =	vld [tilespmem:s8+$0x40]  }
.LBB2_5:
0x63: {  	p0 =	sne.s32 s10, $0x1DC0;
	v2 =	vld [tilespmem:s11+$0x88E0];
	_ =	sdelay $0x4  }
0x64: {  	v1 =	vadd.f32 v2, v1;
	_ =	sdelay $0x1  }
0x65: {  	v2 =	vmul.f32 $2.000000030e-01, v1  }
0x66: {  	vm1 =	vge.f32 v1, $0.0e+00  }
0x67: {  	v1 =	vsel vm1, v1, v2  }
0x68: {  	v1 =	vmul.f32 $1.442695020e+00, v1;
	_ =	sdelay $0x1  }
0x69: {  	(erf) = vpow2.f32 v1;
	_ =	sdelay $0x4  }
0x6a: {  	v1 =	vld [tilespmem:s8+$0x30]  }
0x6b: {  	v2 =	vld [tilespmem:s8+$0x20]  }
0x6c: {  	v3 =	vld [tilespmem:s8+$0x10]  }
0x6d: {  	v4 =	vld [tilespmem:s8+$0x0]  }
0x6e: {  	v5 =	vld [tilespmem:s8+$0xFFFFFFF0];
	v6 =	vpop (erf)  }
0x6f: {  	v7 =	vnsel vm0, $0x0, v6;
	v8 =	vld [tilespmem:s8+$0xFFFFFFE0];
	v9 =	vbroadcast v6, $0x6;
	v10 =	vbroadcast v6, $0x7  }
0x70: {  	v11 =	vbroadcast v6, $0x4;
	v12 =	vbroadcast v6, $0x5;
	[tilespmem:s8+$0x40] =	vst v7;
	v7 =	vld [tilespmem:s8+$0xFFFFFFD0]  }
0x71: {  	v13 =	vld [tilespmem:s8+$0xFFFFFFC0];
	v2 =	vmul.f32 v2, v9;
	v1 =	vmul.f32 v1, v10  }
0x72: {  	v3 =	vmul.f32 v3, v12;
	v4 =	vmul.f32 v4, v11  }
0x73: {  	v9 =	vbroadcast v6, $0x2;
	v10 =	vbroadcast v6, $0x3;
	[tilespmem:s8+$0x30] =	vst v1  }
0x74: {  	v1 =	vbroadcast v6, $0x0;
	v6 =	vbroadcast v6, $0x1;
	[tilespmem:s8+$0x20] =	vst v2  }
0x75: {  	v5 =	vmul.f32 v5, v10;
	v2 =	vmul.f32 v9, v8;
	[tilespmem:s8+$0x10] =	vst v3  }
.Ltmp1:
0x76: {  	v3 =	vmul.f32 v1, v13;
	v1 =	vmul.f32 v6, v7;
	[tilespmem:s8+$0x0] =	vst v4;
	(pc) =	sbr.rel @p0 .LBB2_5-.Ltmp1, $4  }
0x77: {  	[tilespmem:s8+$0xFFFFFFF0] =	vst v5  }
0x78: {  	[tilespmem:s8+$0xFFFFFFE0] =	vst v2  }
0x79: {  	s8 =	sadd.s32 $0x90, s8;
	[tilespmem:s9+$0xFFFFFFD0] =	vst v1  }
0x7a: {  	s11 =	sshra.s32 s10, $0x2;
	s10 =	sadd.s32 $0x40, s10;
	v1 =	vld [tilespmem:s8+$0x40];
	[tilespmem:s9+$0xFFFFFFC0] =	vst v3;
	s9 =	smov.u32 s8  }
0x7b: {  	v2 =	vld [tilespmem:s11+$0x88E0];
	_ =	sdelay $0x4  }
0x7c: {  	v1 =	vadd.f32 v2, v1;
	_ =	sdelay $0x1  }
0x7d: {  	v2 =	vmul.f32 $2.000000030e-01, v1  }
0x7e: {  	vm1 =	vge.f32 v1, $0.0e+00  }
0x7f: {  	v1 =	vsel vm1, v1, v2  }
0x80: {  	v1 =	vmul.f32 $1.442695020e+00, v1;
	_ =	sdelay $0x1  }
0x81: {  	(erf) = vpow2.f32 v1;
	_ =	sdelay $0x6  }
0x82: {  	v1 =	vld [tilespmem:s8+$0x30]  }
0x83: {  	v2 =	vld [tilespmem:s8+$0x20]  }
0x84: {  	v3 =	vld [tilespmem:s8+$0x10];
	v4 =	vpop (erf)  }
0x85: {  	v7 =	vld [tilespmem:s8+$0xFFFFFFF0];
	v6 =	vbroadcast v4, $0x7  }
0x86: {  	v5 =	vld [tilespmem:s8+$0x0];
	v8 =	vbroadcast v4, $0x6  }
0x87: {  	v10 =	vld [tilespmem:s8+$0xFFFFFFE0];
	v9 =	vnsel vm0, $0x0, v4;
	v11 =	vbroadcast v4, $0x5;
	v1 =	vmul.f32 v1, v6  }
0x88: {  	v57 =	vld [tilespmem:s8+$0xFFFFFFD0];
	v60 =	vbroadcast v4, $0x3;
	[tilespmem:s8+$0x40] =	vst v9;
	v2 =	vmul.f32 v2, v8  }
0x89: {  	v59 =	vld [tilespmem:s8+$0xFFFFFFC0];
	v58 =	vbroadcast v4, $0x4;
	v3 =	vmul.f32 v3, v11;
	[tilespmem:s8+$0x30] =	vst v1  }
0x8a: {  	v61 =	vbroadcast v4, $0x2;
	v7 =	vmul.f32 v7, v60;
	[tilespmem:s8+$0x20] =	vst v2  }
0x8b: {  	v1 =	vmul.f32 v5, v58;
	v2 =	vbroadcast v4, $0x1;
	[tilespmem:s8+$0x10] =	vst v3  }
0x8c: {  	v62 =	vmul.f32 v61, v10;
	v3 =	vbroadcast v4, $0x0;
	[tilespmem:s8+$0xFFFFFFF0] =	vst v7  }
0x8d: {  	[tilespmem:s8+$0x0] =	vst v1;
	v1 =	vmul.f32 v2, v57  }
0x8e: {  	p0 =	seq.s32 s22, $0x29;
	[tilespmem:s8+$0xFFFFFFE0] =	vst v62;
	v2 =	vmul.f32 v3, v59  }
0x8f: {  	s0 =	sadd.s32 @!p0 s0, s16;
	[tilespmem:s9+$0xFFFFFFD0] =	vst v1  }
0x90: {  	s0 =	smul.u32 @!p0 $0x78, s0;
	[tilespmem:s9+$0xFFFFFFC0] =	vst v2  }
0x91: {  	[spmem:s2] =	stream.indirect.scatter.add.f32 [tilespmem:s19], [sflag:$0x5], $0x90, s21, s21, $0xb8;
	v63 =	vld [tilespmem:$0x0]  }
0x92: {  	s0 =	sshrl.u32 @!p0 s0, $0x3;
	_ =	swait.ge [sflag:s20], $0x4380  }
0x93: {  	s0 =	sadd.s32 @!p0 s6, s0;
	[sflag:s20] =	ssyncset.done $0x0  }
0x94: {  	s8 =	simm.s32 @!p0 $0x0;
	s9 =	simm.s32 @!p0 $0x5;
	[sflag:s20] =	ssyncadd.s32 $0xFFFFBC80  }
0x95: {  	[tilespmem:s8], [sflag:$0x5] =	stream.linear.gather @!p0 [hbm4b:s0+s8], $0x78, $0x38;
	v63 =	vld [tilespmem:$0x0]  }
0x96: {  	_ =	swait.ge @!p0 [sflag:s9], $0x78  }
0x97: {  	[sflag:s9] =	ssyncset.done @!p0 $0x0  }
0x98: {  	s10 =	simm.s32 @!p0 $0x78;
	s0 =	sadd.s32 @!p0 $0x9D80, s0;
	[sflag:s9] =	ssyncadd.s32 @!p0 $0xFFFFFF88  }
0x99: {  	[tilespmem:s10], [sflag:$0x5] =	stream.linear.gather @!p0 [hbm4b:s0+s8], $0x78, $0x38;
	v63 =	vld [tilespmem:$0x0]  }
0x9a: {  	_ =	swait.ge @!p0 [sflag:s9], $0x78  }
0x9b: {  	[sflag:s9] =	ssyncset.done @!p0 $0x0  }
0x9c: {  	s0 =	simm.s32 @!p0 $0x1E0;
	[sflag:s9] =	ssyncadd.s32 @!p0 $0xFFFFFF88  }
0x9d: {  	[tilespmem:s0], [sflag:$0x1] =	stream.indirect.gather @!p0 [hbm4b:s4+s10], $0x90, s8, s10, $0xb8;
	v63 =	vld [tilespmem:$0x0]  }
0x9e: {  	s0 =	simm.s32 @!p0 $0x88E0  }
0x9f: {  	[tilespmem:s0], [sflag:$0x2] =	stream.indirect.gather @!p0 [hbm4b:s5+s10], $0x10, s10, s10, $0xb8;
	v63 =	vld [tilespmem:$0x0]  }
0xa0: {  	_ =	swait.ge [sflag:s30], $0x4380  }
0xa1: {  	[sflag:s30] =	ssyncset.done $0x0  }
0xa2: {  	[sflag:s30] =	ssyncadd.s32 $0xFFFFBC80  }
0xa3: {  	_ =	swait.ge [sflag:s31], $0x780  }
0xa4: {  	[sflag:s31] =	ssyncset.done $0x0  }
0xa5: {  	s0 =	simm.s32 $0x45A0;
	[sflag:s31] =	ssyncadd.s32 $0xFFFFF880  }
0xa6: {  	s9 =	simm.s32 $0x40;
	s8 =	simm.s32 $0x45A0;
	s10 =	simm.s32 $0x0;
	v1 =	vld [tilespmem:s0+$0x40]  }
.LBB2_7:
0xa7: {  	p0 =	sne.s32 s9, $0x1DC0;
	v2 =	vld [tilespmem:s10+$0x9060];
	_ =	sdelay $0x4  }
0xa8: {  	v1 =	vadd.f32 v2, v1;
	_ =	sdelay $0x1  }
0xa9: {  	v2 =	vmul.f32 $2.000000030e-01, v1  }
0xaa: {  	vm1 =	vge.f32 v1, $0.0e+00  }
0xab: {  	v1 =	vsel vm1, v1, v2  }
0xac: {  	v1 =	vmul.f32 $1.442695020e+00, v1;
	_ =	sdelay $0x1  }
0xad: {  	(erf) = vpow2.f32 v1;
	_ =	sdelay $0x4  }
0xae: {  	v1 =	vld [tilespmem:s0+$0x30]  }
0xaf: {  	v2 =	vld [tilespmem:s0+$0x20]  }
0xb0: {  	v3 =	vld [tilespmem:s0+$0x10]  }
0xb1: {  	v4 =	vld [tilespmem:s0+$0x0]  }
0xb2: {  	v5 =	vld [tilespmem:s0+$0xFFFFFFF0];
	v6 =	vpop (erf)  }
0xb3: {  	v7 =	vnsel vm0, $0x0, v6;
	v8 =	vld [tilespmem:s0+$0xFFFFFFE0];
	v9 =	vbroadcast v6, $0x6;
	v10 =	vbroadcast v6, $0x7  }
0xb4: {  	v11 =	vbroadcast v6, $0x4;
	v12 =	vbroadcast v6, $0x5;
	[tilespmem:s0+$0x40] =	vst v7;
	v7 =	vld [tilespmem:s0+$0xFFFFFFD0]  }
0xb5: {  	v13 =	vld [tilespmem:s0+$0xFFFFFFC0];
	v2 =	vmul.f32 v2, v9;
	v1 =	vmul.f32 v1, v10  }
0xb6: {  	v3 =	vmul.f32 v3, v12;
	v4 =	vmul.f32 v4, v11  }
0xb7: {  	v9 =	vbroadcast v6, $0x2;
	v10 =	vbroadcast v6, $0x3;
	[tilespmem:s0+$0x30] =	vst v1  }
0xb8: {  	v1 =	vbroadcast v6, $0x0;
	v6 =	vbroadcast v6, $0x1;
	[tilespmem:s0+$0x20] =	vst v2  }
0xb9: {  	v5 =	vmul.f32 v5, v10;
	v2 =	vmul.f32 v9, v8;
	[tilespmem:s0+$0x10] =	vst v3  }
.Ltmp2:
0xba: {  	v3 =	vmul.f32 v1, v13;
	v1 =	vmul.f32 v6, v7;
	[tilespmem:s0+$0x0] =	vst v4;
	(pc) =	sbr.rel @p0 .LBB2_7-.Ltmp2, $4  }
0xbb: {  	[tilespmem:s0+$0xFFFFFFF0] =	vst v5  }
0xbc: {  	[tilespmem:s0+$0xFFFFFFE0] =	vst v2  }
0xbd: {  	s0 =	sadd.s32 $0x90, s0;
	[tilespmem:s8+$0xFFFFFFD0] =	vst v1  }
0xbe: {  	s10 =	sshra.s32 s9, $0x2;
	s9 =	sadd.s32 $0x40, s9;
	v1 =	vld [tilespmem:s0+$0x40];
	[tilespmem:s8+$0xFFFFFFC0] =	vst v3;
	s8 =	smov.u32 s0  }
0xbf: {  	v2 =	vld [tilespmem:s10+$0x9060];
	_ =	sdelay $0x4  }
0xc0: {  	v1 =	vadd.f32 v2, v1;
	_ =	sdelay $0x1  }
0xc1: {  	v2 =	vmul.f32 $2.000000030e-01, v1  }
0xc2: {  	vm1 =	vge.f32 v1, $0.0e+00  }
0xc3: {  	v1 =	vsel vm1, v1, v2  }
0xc4: {  	v1 =	vmul.f32 $1.442695020e+00, v1;
	_ =	sdelay $0x1  }
0xc5: {  	(erf) = vpow2.f32 v1;
	_ =	sdelay $0x6  }
0xc6: {  	v1 =	vld [tilespmem:s0+$0x30]  }
0xc7: {  	v2 =	vld [tilespmem:s0+$0x20]  }
0xc8: {  	v3 =	vld [tilespmem:s0+$0x10];
	v4 =	vpop (erf)  }
0xc9: {  	v7 =	vld [tilespmem:s0+$0xFFFFFFF0];
	v6 =	vbroadcast v4, $0x7  }
0xca: {  	v5 =	vld [tilespmem:s0+$0x0];
	v8 =	vbroadcast v4, $0x6  }
0xcb: {  	v10 =	vld [tilespmem:s0+$0xFFFFFFE0];
	v9 =	vnsel vm0, $0x0, v4;
	v11 =	vbroadcast v4, $0x5;
	v1 =	vmul.f32 v1, v6  }
0xcc: {  	v57 =	vld [tilespmem:s0+$0xFFFFFFD0];
	v60 =	vbroadcast v4, $0x3;
	[tilespmem:s0+$0x40] =	vst v9;
	v2 =	vmul.f32 v2, v8  }
0xcd: {  	v59 =	vld [tilespmem:s0+$0xFFFFFFC0];
	v58 =	vbroadcast v4, $0x4;
	v3 =	vmul.f32 v3, v11;
	[tilespmem:s0+$0x30] =	vst v1  }
0xce: {  	v61 =	vbroadcast v4, $0x2;
	v7 =	vmul.f32 v7, v60;
	[tilespmem:s0+$0x20] =	vst v2  }
0xcf: {  	v1 =	vmul.f32 v5, v58;
	v2 =	vbroadcast v4, $0x1;
	[tilespmem:s0+$0x10] =	vst v3  }
0xd0: {  	v62 =	vmul.f32 v61, v10;
	v3 =	vbroadcast v4, $0x0;
	[tilespmem:s0+$0xFFFFFFF0] =	vst v7  }
0xd1: {  	[tilespmem:s0+$0x0] =	vst v1;
	v1 =	vmul.f32 v2, v57  }
0xd2: {  	s22 =	sadd.s32 $0x1, s22;
	[tilespmem:s0+$0xFFFFFFE0] =	vst v62;
	v2 =	vmul.f32 v3, v59  }
0xd3: {  	p0 =	sne.s32 s22, $0x2A;
	[tilespmem:s8+$0xFFFFFFD0] =	vst v1  }
.Ltmp3:
0xd4: {  	[tilespmem:s8+$0xFFFFFFC0] =	vst v2;
	(pc) =	sbr.rel @p0 .LBB2_4-.Ltmp3, $4  }
0xd5: {  	[spmem:s2] =	stream.indirect.scatter.add.f32 [tilespmem:s25], [sflag:$0x5], $0x90, s24, s21, $0xb8;
	v63 =	vld [tilespmem:$0x0]  }
0xd6: {  	_ =	swait.ge [sflag:s20], $0x4380  }
0xd7: {  	[sflag:s20] =	ssyncset.done $0x0  }
0xd8: {  	[sflag:s20] =	ssyncadd.s32 $0xFFFFBC80  }
0xd9: {  	s0 =	stileid.u32;
	s3 =	sadd.s32 $0x1, s3  }
0xda: {  	[bflag:$0x0] =	sbarrier.arrive $0xFFFF;
	s0 =	sshll.u32 s0, $0x6;
	p0 =	sne.s32 s3, s18  }
.Ltmp4:
0xdb: {  	s1 =	sshrl.u32 s7, $0x3;
	s0 =	sor.u32 $0x1C05, s0;
	(pc) =	sbr.rel @p0 .LBB2_1-.Ltmp4, $4  }
0xdc: {  	[hbm:s17], [sflag:s0] =	dma.local [spmem:s1], $0x2D00  }
0xdd: {  	_ =	swait.ge [sflag:s20], $0x2D00  }
0xde: {  	[sflag:s20] =	ssyncset.done $0x0  }
0xdf: {  	[sflag:s20] =	ssyncadd.s32 $0xFFFFD300  }
0xe0: {  	_ =	sfence.sel $0x180000  }
0xe1: {  	[bflag:$0x0] =	sbarrier.arrive $0xFFFF  }
0xe2: {  	_ =	strace $0x90000047  }
0xe3: {  	s0 =	stileid.u32;
	[bflag:$0x2] =	sbarrier.arrive $0xFFFF  }
0xe4: {  	p0 =	sne.s32 s0, $0x0;
	s0 =	rddreg [dreg:$0x2]  }
0xe5: {  	s0 =	sadd.s32 @!p0 $0x100000, s0  }
0xe6: {  	[sflag:s0] =	ssyncadd.tile.s32 @!p0 $0x1;
	_ =	shalt  }
.Lfunc_end2:
_tile_overlayer_lowered:
.L_overlay_start_2:
0xe7: {  	(tag) =	ssettag $0x2  }
0xe8: {  	s0 =	rddreg [dreg:$0x0];
	s2 =	stileid.u32  }
0xe9: {  	s1 =	rddreg [dreg:$0x1];
	p0 =	sne.s32 s2, $0x0  }
0xea: {  	s3 =	rddreg [dreg:$0x2];
	[bflag:$0x3] =	sbarrier.arrive $0xFFFF;
	s2 =	simm.s32 @!p0 $0x1C05  }
0xeb: {  	[timem:s3], [sflag:s2] =	dma.local @!p0 [hbm:s0], s1  }
0xec: {  	s0 =	simm.s32 @!p0 $0x5  }
0xed: {  	_ =	swait.ge @!p0 [sflag:s0], s1  }
0xee: {  	s1 =	ssub.s32 @!p0 $0x0, s1;
	[sflag:s0] =	ssyncset.done @!p0 $0x0  }
0xef: {  	[sflag:s0] =	ssyncadd.s32 @!p0 s1  }
0xf0: {  	[bflag:$0x3] =	sbarrier.arrive $0xFFFF  }
0xf1: {  	_ =	shalt  }

</sc_bundles>
